<compile_context>
chip_gen: v7x
topology: tpu7x:2x2x1
jax: 0.10.2.dev20260603
libtpu: 0.0.44.dev20260713+nightly
codegen_flags: <defaults>
</compile_context>

<pallas_src>
import functools

import jax
import jax.numpy as jnp
from jax import lax
from jax.experimental import pallas as pl
from jax.experimental.pallas import tpu as pltpu
from jax.experimental.pallas import tpu_sc as plsc

N_ROWS = 1_000_000
DIM = 128
VOCAB = 324
BLK = 128
NBLK = N_ROWS // BLK
TAIL = N_ROWS - NBLK * BLK
NC, NS = 2, 16
NW = NC * NS
NB_LO = NBLK // NW
N_EXTRA = NBLK - NB_LO * NW
NB_HI = NB_LO + 1
NBUF = 4
N_OUTER = NB_LO // NBUF

_mesh = plsc.VectorSubcoreMesh(core_axis_name="c", subcore_axis_name="s")


@functools.partial(
    pl.kernel,
    mesh=_mesh,
    out_type=jax.ShapeDtypeStruct((N_ROWS, DIM), jnp.float32),
    scratch_types=[
        pltpu.VMEM_SHARED((VOCAB, DIM), jnp.float32),
        pltpu.VMEM((NB_HI * BLK,), jnp.int32),
        pltpu.VMEM((NBUF, BLK, DIM), jnp.float32),
        pltpu.VMEM((TAIL,), jnp.int32),
        pltpu.VMEM((TAIL, DIM), jnp.float32),
        pltpu.SemaphoreType.DMA,
        pltpu.SemaphoreType.DMA,
        pltpu.SemaphoreType.DMA,
        pltpu.SemaphoreType.DMA,
        pltpu.SemaphoreType.DMA,
        pltpu.SemaphoreType.DMA,
        pltpu.SemaphoreType.DMA,
        pltpu.SemaphoreType.DMA,
    ],
)
def _gather_kernel(emb_hbm, idx1d_hbm, out_hbm,
                   table_sh, idx_v, rows_v, tidx_v, trows_v,
                   gsem0, gsem1, gsem2, gsem3, ssem0, ssem1, ssem2, ssem3):
    wid = lax.axis_index("s") * NC + lax.axis_index("c")
    gsems = (gsem0, gsem1, gsem2, gsem3)
    ssems = (ssem0, ssem1, ssem2, ssem3)

    @pl.when(lax.axis_index("s") == 0)
    def _():
        pltpu.sync_copy(emb_hbm, table_sh)
    plsc.subcore_barrier()

    start = wid * NB_LO + lax.min(wid, N_EXTRA)
    n_blk = NB_LO + lax.convert_element_type(wid < N_EXTRA, jnp.int32)

    @pl.when(start + NB_HI <= NBLK)
    def _():
        pltpu.sync_copy(idx1d_hbm.at[pl.ds(start * BLK, NB_HI * BLK)], idx_v)

    @pl.when(start + NB_HI > NBLK)
    def _():
        pltpu.sync_copy(
            idx1d_hbm.at[pl.ds(start * BLK, NB_LO * BLK)],
            idx_v.at[pl.ds(0, NB_LO * BLK)],
        )

    def idx_row(k):
        return idx_v.at[pl.ds(k * BLK, BLK)]

    pltpu.async_copy(table_sh.at[idx_row(0)], rows_v.at[0], gsems[0])
    pltpu.async_copy(table_sh.at[idx_row(1)], rows_v.at[1], gsems[1])

    def step(i, b):
        nx = i + 2
        bx = (b + 2) % NBUF

        @pl.when(nx < n_blk)
        def _():
            @pl.when(nx >= NBUF)
            def _():
                pltpu.make_async_copy(
                    rows_v.at[bx], out_hbm.at[pl.ds(0, BLK)], ssems[bx]
                ).wait()
            pltpu.async_copy(table_sh.at[idx_row(nx)], rows_v.at[bx], gsems[bx])

        pltpu.make_async_copy(
            table_sh.at[idx_row(0)], rows_v.at[b], gsems[b]
        ).wait()
        pltpu.async_copy(
            rows_v.at[b], out_hbm.at[pl.ds((start + i) * BLK, BLK)], ssems[b]
        )

    def body(ii, carry):
        i4 = ii * NBUF
        for db in range(NBUF):
            step(i4 + db, db)
        return carry

    lax.fori_loop(0, N_OUTER, body, 0)

    @pl.when(n_blk > NB_LO)
    def _():
        pltpu.make_async_copy(
            table_sh.at[idx_row(0)], rows_v.at[0], gsems[0]
        ).wait()
        pltpu.async_copy(
            rows_v.at[0], out_hbm.at[pl.ds((start + NB_LO) * BLK, BLK)], ssems[0]
        )

    for b in range(NBUF):
        pltpu.make_async_copy(
            rows_v.at[b], out_hbm.at[pl.ds(0, BLK)], ssems[b]
        ).wait()

    @pl.when(wid == 0)
    def _():
        pltpu.sync_copy(idx1d_hbm.at[pl.ds(NBLK * BLK, TAIL)], tidx_v)
        pltpu.async_copy(table_sh.at[tidx_v], trows_v, gsems[0]).wait()
        pltpu.sync_copy(trows_v, out_hbm.at[pl.ds(NBLK * BLK, TAIL)])


def kernel(indices, embeddings):
    return _gather_kernel(embeddings, indices.astype(jnp.int32))

# --- scband reference (transcript-rebuilt; emitter-appended) ---
"""Pipeline reference for scband-residue-atom-embed-82892868812882 (READ-ONLY COPY).

The authoritative reference and input builder live on the scoring server;
editing this copy changes nothing except your own understanding.
"""

import jax, jax.numpy as jnp
import numpy as np

IDX_CURR = 324  # total rows: sum of per-residue atom counts
DIM = 128
N_ATOMS = 1000000

def setup_inputs(seed: int = 0) -> dict:
    key = jax.random.key(seed)
    k1, k2 = jax.random.split(key)
    # metadata.seq determines a concatenation of (arange(res_len) + offset) blocks;
    # we materialize the resulting atom-index vector directly.
    indices = jax.random.randint(k1, (N_ATOMS,), 0, IDX_CURR, dtype=jnp.int64)
    # nn.Parameter(torch.zeros(...)) in the original; use randn for a non-degenerate reference.
    embeddings = jax.random.normal(k2, (IDX_CURR, DIM), dtype=jnp.float32)
    return {"indices": indices, "embeddings": embeddings}

def reference(indices, embeddings):
    # forward: self.embeddings[cat([arange(res_lens[l]) + index_mapping[l] for l in seq])]
    # -> plain row gather from the per-atom embedding table
    return jnp.take(embeddings, indices, axis=0)

if __name__ == "__main__":
    import jax
    _d = setup_inputs()
    print(jax.jit(kernel)(*tuple(_d.values())))

</pallas_src>

<mosaic_0001>
#map = affine_map<(d0, d1) -> (0, 0)>
#map1 = affine_map<(d0, d1) -> (0)>
module attributes {stable_mosaic.version = 14 : i64} {
  func.func @_gather_kernel(%arg0: i32, %arg1: i32, %arg2: memref<324x128xf32, #tpu.memory_space<hbm>>, %arg3: memref<1000000xi32, #tpu.memory_space<hbm>>, %arg4: memref<1000000x128xf32, #tpu.memory_space<hbm>>, %arg5: memref<324x128xf32, #tpu.memory_space<vmem_shared>>, %arg6: memref<31360xi32, #tpu.memory_space<vmem>>, %arg7: memref<4x128x128xf32, #tpu.memory_space<vmem>>, %arg8: memref<64xi32, #tpu.memory_space<vmem>>, %arg9: memref<64x128xf32, #tpu.memory_space<vmem>>, %arg10: memref<!tpu.dma_semaphore, #tpu.memory_space<semaphore_mem>>, %arg11: memref<!tpu.dma_semaphore, #tpu.memory_space<semaphore_mem>>, %arg12: memref<!tpu.dma_semaphore, #tpu.memory_space<semaphore_mem>>, %arg13: memref<!tpu.dma_semaphore, #tpu.memory_space<semaphore_mem>>, %arg14: memref<!tpu.dma_semaphore, #tpu.memory_space<semaphore_mem>>, %arg15: memref<!tpu.dma_semaphore, #tpu.memory_space<semaphore_mem>>, %arg16: memref<!tpu.dma_semaphore, #tpu.memory_space<semaphore_mem>>, %arg17: memref<!tpu.dma_semaphore, #tpu.memory_space<semaphore_mem>>) attributes {dimension_semantics = [#tpu.dimension_semantics<core_parallel>, #tpu.dimension_semantics<subcore_parallel>], iteration_bounds = array<i64: 2, 16>, scalar_prefetch = 0 : i64, scratch_operands = 13 : i64, tpu.core_type = #tpu.core_type<sc_vector_subcore>, window_params = [{transform_indices = #map}, {transform_indices = #map1}, {transform_indices = #map}]} {
    %mul3A = arith.constant 2 : i32
    %mul3A_0 = arith.muli %arg1, %mul3A : i32
    %add3A = arith.addi %mul3A_0, %arg0 : i32
    %eq3A = arith.constant 0 : i32
    %eq3A_1 = arith.cmpi eq, %arg1, %eq3A : i32
    %convert_element_type3A = arith.extui %eq3A_1 : i1 to i32
    %cond3A = arith.constant 0 : i32
    %cond3A_2 = arith.cmpi ne, %convert_element_type3A, %cond3A : i32
    scf.if %cond3A_2 {
      "tpu.region"() ({
        %run_scoped3A = tpu.sem_alloc : memref<!tpu.dma_semaphore, #tpu.memory_space<semaphore_mem>>
        tpu.enqueue_dma source(%arg2 : memref<324x128xf32, #tpu.memory_space<hbm>>) target(%arg5 : memref<324x128xf32, #tpu.memory_space<vmem_shared>>) target_semaphore(%run_scoped3A : memref<!tpu.dma_semaphore, #tpu.memory_space<semaphore_mem>>)
        tpu.wait_dma2 semaphore(%run_scoped3A : memref<!tpu.dma_semaphore, #tpu.memory_space<semaphore_mem>>) src(%arg2 : memref<324x128xf32, #tpu.memory_space<hbm>>) dst(%arg5 : memref<324x128xf32, #tpu.memory_space<vmem_shared>>)
        tpu.yield
      }) : () -> ()
    } else {
    }
    %barrier3A = arith.constant 0 : index
    tpu.barrier barrier_id(%barrier3A)
    %mul3A_3 = arith.constant 244 : i32
    %mul3A_4 = arith.muli %add3A, %mul3A_3 : i32
    %min3A = arith.constant 4 : i32
    %min3A_5 = arith.minsi %add3A, %min3A : i32
    %add3A_6 = arith.addi %mul3A_4, %min3A_5 : i32
    %lt3A = arith.constant 4 : i32
    %lt3A_7 = arith.cmpi slt, %add3A, %lt3A : i32
    %convert_element_type3A_8 = arith.extui %lt3A_7 : i1 to i32
    %add3A_9 = arith.constant 244 : i32
    %add3A_10 = arith.addi %add3A_9, %convert_element_type3A_8 : i32
    %add3A_11 = arith.constant 245 : i32
    %add3A_12 = arith.addi %add3A_6, %add3A_11 : i32
    %le3A = arith.constant 7812 : i32
    %le3A_13 = arith.cmpi sle, %add3A_12, %le3A : i32
    %convert_element_type3A_14 = arith.extui %le3A_13 : i1 to i32
    %cond3A_15 = arith.constant 0 : i32
    %cond3A_16 = arith.cmpi ne, %convert_element_type3A_14, %cond3A_15 : i32
    scf.if %cond3A_16 {
      %mul3A_116 = arith.constant 128 : i32
      %mul3A_117 = arith.muli %add3A_6, %mul3A_116 : i32
      "tpu.region"() ({
        %run_scoped3A = tpu.sem_alloc : memref<!tpu.dma_semaphore, #tpu.memory_space<semaphore_mem>>
        %dma_start3A_118 = tpu.memref_slice %arg3[%mul3A_117] : memref<1000000xi32, #tpu.memory_space<hbm>> -> memref<31360xi32, #tpu.memory_space<hbm>>
        %dma_start3A_119 = tpu.memref_slice %arg3[%mul3A_117] : memref<1000000xi32, #tpu.memory_space<hbm>> -> memref<31360xi32, #tpu.memory_space<hbm>>
        tpu.enqueue_dma source(%dma_start3A_119 : memref<31360xi32, #tpu.memory_space<hbm>>) target(%arg6 : memref<31360xi32, #tpu.memory_space<vmem>>) target_semaphore(%run_scoped3A : memref<!tpu.dma_semaphore, #tpu.memory_space<semaphore_mem>>)
        %dma_wait3A_120 = tpu.memref_slice %arg3[%mul3A_117] : memref<1000000xi32, #tpu.memory_space<hbm>> -> memref<31360xi32, #tpu.memory_space<hbm>>
        %dma_wait3A_121 = tpu.memref_slice %arg3[%mul3A_117] : memref<1000000xi32, #tpu.memory_space<hbm>> -> memref<31360xi32, #tpu.memory_space<hbm>>
        tpu.wait_dma2 semaphore(%run_scoped3A : memref<!tpu.dma_semaphore, #tpu.memory_space<semaphore_mem>>) src(%dma_wait3A_121 : memref<31360xi32, #tpu.memory_space<hbm>>) dst(%arg6 : memref<31360xi32, #tpu.memory_space<vmem>>)
        tpu.yield
      }) : () -> ()
    } else {
    }
    %add3A_17 = arith.constant 245 : i32
    %add3A_18 = arith.addi %add3A_6, %add3A_17 : i32
    %gt3A = arith.constant 7812 : i32
    %gt3A_19 = arith.cmpi sgt, %add3A_18, %gt3A : i32
    %convert_element_type3A_20 = arith.extui %gt3A_19 : i1 to i32
    %cond3A_21 = arith.constant 0 : i32
    %cond3A_22 = arith.cmpi ne, %convert_element_type3A_20, %cond3A_21 : i32
    scf.if %cond3A_22 {
      %mul3A_116 = arith.constant 128 : i32
      %mul3A_117 = arith.muli %add3A_6, %mul3A_116 : i32
      "tpu.region"() ({
        %run_scoped3A = tpu.sem_alloc : memref<!tpu.dma_semaphore, #tpu.memory_space<semaphore_mem>>
        %dma_start3A_118 = arith.constant 0 : i32
        %dma_start3A_119 = tpu.memref_slice %arg6[%dma_start3A_118] : memref<31360xi32, #tpu.memory_space<vmem>> -> memref<31232xi32, #tpu.memory_space<vmem>>
        %dma_start3A_120 = tpu.memref_slice %arg3[%mul3A_117] : memref<1000000xi32, #tpu.memory_space<hbm>> -> memref<31232xi32, #tpu.memory_space<hbm>>
        %dma_start3A_121 = arith.constant 0 : i32
        %dma_start3A_122 = tpu.memref_slice %arg6[%dma_start3A_121] : memref<31360xi32, #tpu.memory_space<vmem>> -> memref<31232xi32, #tpu.memory_space<vmem>>
        %dma_start3A_123 = tpu.memref_slice %arg3[%mul3A_117] : memref<1000000xi32, #tpu.memory_space<hbm>> -> memref<31232xi32, #tpu.memory_space<hbm>>
        tpu.enqueue_dma source(%dma_start3A_123 : memref<31232xi32, #tpu.memory_space<hbm>>) target(%dma_start3A_122 : memref<31232xi32, #tpu.memory_space<vmem>>) target_semaphore(%run_scoped3A : memref<!tpu.dma_semaphore, #tpu.memory_space<semaphore_mem>>)
        %dma_wait3A_124 = arith.constant 0 : i32
        %dma_wait3A_125 = tpu.memref_slice %arg6[%dma_wait3A_124] : memref<31360xi32, #tpu.memory_space<vmem>> -> memref<31232xi32, #tpu.memory_space<vmem>>
        %dma_wait3A_126 = tpu.memref_slice %arg3[%mul3A_117] : memref<1000000xi32, #tpu.memory_space<hbm>> -> memref<31232xi32, #tpu.memory_space<hbm>>
        %dma_wait3A_127 = arith.constant 0 : i32
        %dma_wait3A_128 = tpu.memref_slice %arg6[%dma_wait3A_127] : memref<31360xi32, #tpu.memory_space<vmem>> -> memref<31232xi32, #tpu.memory_space<vmem>>
        %dma_wait3A_129 = tpu.memref_slice %arg3[%mul3A_117] : memref<1000000xi32, #tpu.memory_space<hbm>> -> memref<31232xi32, #tpu.memory_space<hbm>>
        tpu.wait_dma2 semaphore(%run_scoped3A : memref<!tpu.dma_semaphore, #tpu.memory_space<semaphore_mem>>) src(%dma_wait3A_129 : memref<31232xi32, #tpu.memory_space<hbm>>) dst(%dma_wait3A_128 : memref<31232xi32, #tpu.memory_space<vmem>>)
        tpu.yield
      }) : () -> ()
    } else {
    }
    %dma_start3A = arith.constant 0 : i32
    %dma_start3A_23 = arith.constant 0 : i32
    %dma_start3A_24 = arith.constant 0 : i32
    %dma_start3A_25 = tpu.memref_slice %arg7[%dma_start3A, %dma_start3A_23, %dma_start3A_24] : memref<4x128x128xf32, #tpu.memory_space<vmem>> -> memref<1x128x128xf32, #tpu.memory_space<vmem>>
    %dma_start3A_26 = tpu.memref_squeeze %dma_start3A_25 : memref<1x128x128xf32, #tpu.memory_space<vmem>> -> memref<128x128xf32, #tpu.memory_space<vmem>>
    %dma_start3A_27 = arith.constant 0 : i32
    %dma_start3A_28 = tpu.memref_slice %arg6[%dma_start3A_27] : memref<31360xi32, #tpu.memory_space<vmem>> -> memref<128xi32, #tpu.memory_space<vmem>>
    %dma_start3A_29 = arith.constant 0 : i32
    %dma_start3A_30 = arith.constant 0 : i32
    %dma_start3A_31 = tpu.memref_slice %arg5[%dma_start3A_29, %dma_start3A_30] : memref<324x128xf32, #tpu.memory_space<vmem_shared>> -> memref<324x128xf32, #tpu.memory_space<vmem_shared>>
    tpu.enqueue_indirect_dma source(%dma_start3A_31 : memref<324x128xf32, #tpu.memory_space<vmem_shared>>) target(%dma_start3A_26 : memref<128x128xf32, #tpu.memory_space<vmem>>) offsets(%dma_start3A_28 : memref<128xi32, #tpu.memory_space<vmem>>) semaphore(%arg10 : memref<!tpu.dma_semaphore, #tpu.memory_space<semaphore_mem>>)
    %dma_start3A_32 = arith.constant 1 : i32
    %dma_start3A_33 = arith.constant 0 : i32
    %dma_start3A_34 = arith.constant 0 : i32
    %dma_start3A_35 = tpu.memref_slice %arg7[%dma_start3A_32, %dma_start3A_33, %dma_start3A_34] : memref<4x128x128xf32, #tpu.memory_space<vmem>> -> memref<1x128x128xf32, #tpu.memory_space<vmem>>
    %dma_start3A_36 = tpu.memref_squeeze %dma_start3A_35 : memref<1x128x128xf32, #tpu.memory_space<vmem>> -> memref<128x128xf32, #tpu.memory_space<vmem>>
    %dma_start3A_37 = arith.constant 128 : i32
    %dma_start3A_38 = tpu.memref_slice %arg6[%dma_start3A_37] : memref<31360xi32, #tpu.memory_space<vmem>> -> memref<128xi32, #tpu.memory_space<vmem>>
    %dma_start3A_39 = arith.constant 0 : i32
    %dma_start3A_40 = arith.constant 0 : i32
    %dma_start3A_41 = tpu.memref_slice %arg5[%dma_start3A_39, %dma_start3A_40] : memref<324x128xf32, #tpu.memory_space<vmem_shared>> -> memref<324x128xf32, #tpu.memory_space<vmem_shared>>
    tpu.enqueue_indirect_dma source(%dma_start3A_41 : memref<324x128xf32, #tpu.memory_space<vmem_shared>>) target(%dma_start3A_36 : memref<128x128xf32, #tpu.memory_space<vmem>>) offsets(%dma_start3A_38 : memref<128xi32, #tpu.memory_space<vmem>>) semaphore(%arg11 : memref<!tpu.dma_semaphore, #tpu.memory_space<semaphore_mem>>)
    %scan3A = arith.constant 0 : i32
    %scan3A_42 = arith.constant 0 : i32
    %scan3A_43 = arith.constant 61 : i32
    %scan3A_44 = arith.addi %scan3A_42, %scan3A_43 : i32
    %scan3A_45 = arith.constant 1 : i32
    scf.for %scan3A_116 = %scan3A_42 to %scan3A_44 step %scan3A_45  : i32 {
      %mul3A_117 = arith.constant 4 : i32
      %mul3A_118 = arith.muli %scan3A_116, %mul3A_117 : i32
      %add3A_119 = arith.constant 0 : i32
      %add3A_120 = arith.addi %mul3A_118, %add3A_119 : i32
      %add3A_121 = arith.constant 2 : i32
      %add3A_122 = arith.addi %add3A_120, %add3A_121 : i32
      %lt3A_123 = arith.cmpi slt, %add3A_122, %add3A_10 : i32
      %convert_element_type3A_124 = arith.extui %lt3A_123 : i1 to i32
      %cond3A_125 = arith.constant 0 : i32
      %cond3A_126 = arith.cmpi ne, %convert_element_type3A_124, %cond3A_125 : i32
      scf.if %cond3A_126 {
        %ge3A = arith.constant 4 : i32
        %ge3A_255 = arith.cmpi sge, %add3A_122, %ge3A : i32
        %convert_element_type3A_256 = arith.extui %ge3A_255 : i1 to i32
        %cond3A_257 = arith.constant 0 : i32
        %cond3A_258 = arith.cmpi ne, %convert_element_type3A_256, %cond3A_257 : i32
        scf.if %cond3A_258 {
          %dma_wait3A_270 = arith.constant 2 : i32
          %dma_wait3A_271 = arith.constant 0 : i32
          %dma_wait3A_272 = arith.constant 0 : i32
          %dma_wait3A_273 = tpu.memref_slice %arg7[%dma_wait3A_270, %dma_wait3A_271, %dma_wait3A_272] : memref<4x128x128xf32, #tpu.memory_space<vmem>> -> memref<1x128x128xf32, #tpu.memory_space<vmem>>
          %dma_wait3A_274 = tpu.memref_squeeze %dma_wait3A_273 : memref<1x128x128xf32, #tpu.memory_space<vmem>> -> memref<128x128xf32, #tpu.memory_space<vmem>>
          %dma_wait3A_275 = arith.constant 0 : i32
          %dma_wait3A_276 = arith.constant 0 : i32
          %dma_wait3A_277 = tpu.memref_slice %arg4[%dma_wait3A_275, %dma_wait3A_276] : memref<1000000x128xf32, #tpu.memory_space<hbm>> -> memref<128x128xf32, #tpu.memory_space<hbm>>
          %dma_wait3A_278 = arith.constant 0 : i32
          %dma_wait3A_279 = arith.constant 0 : i32
          %dma_wait3A_280 = tpu.memref_slice %arg4[%dma_wait3A_278, %dma_wait3A_279] : memref<1000000x128xf32, #tpu.memory_space<hbm>> -> memref<128x128xf32, #tpu.memory_space<hbm>>
          %dma_wait3A_281 = arith.constant 0 : i32
          %dma_wait3A_282 = arith.constant 0 : i32
          %dma_wait3A_283 = tpu.memref_slice %arg7[%dma_wait3A_270, %dma_wait3A_281, %dma_wait3A_282] : memref<4x128x128xf32, #tpu.memory_space<vmem>> -> memref<1x128x128xf32, #tpu.memory_space<vmem>>
          %dma_wait3A_284 = tpu.memref_squeeze %dma_wait3A_283 : memref<1x128x128xf32, #tpu.memory_space<vmem>> -> memref<128x128xf32, #tpu.memory_space<vmem>>
          tpu.wait_dma2 semaphore(%arg16 : memref<!tpu.dma_semaphore, #tpu.memory_space<semaphore_mem>>) src(%dma_wait3A_284 : memref<128x128xf32, #tpu.memory_space<vmem>>) dst(%dma_wait3A_280 : memref<128x128xf32, #tpu.memory_space<hbm>>)
        } else {
        }
        %mul3A_259 = arith.constant 128 : i32
        %mul3A_260 = arith.muli %add3A_122, %mul3A_259 : i32
        %dma_start3A_261 = arith.constant 2 : i32
        %dma_start3A_262 = arith.constant 0 : i32
        %dma_start3A_263 = arith.constant 0 : i32
        %dma_start3A_264 = tpu.memref_slice %arg7[%dma_start3A_261, %dma_start3A_262, %dma_start3A_263] : memref<4x128x128xf32, #tpu.memory_space<vmem>> -> memref<1x128x128xf32, #tpu.memory_space<vmem>>
        %dma_start3A_265 = tpu.memref_squeeze %dma_start3A_264 : memref<1x128x128xf32, #tpu.memory_space<vmem>> -> memref<128x128xf32, #tpu.memory_space<vmem>>
        %dma_start3A_266 = tpu.memref_slice %arg6[%mul3A_260] : memref<31360xi32, #tpu.memory_space<vmem>> -> memref<128xi32, #tpu.memory_space<vmem>>
        %dma_start3A_267 = arith.constant 0 : i32
        %dma_start3A_268 = arith.constant 0 : i32
        %dma_start3A_269 = tpu.memref_slice %arg5[%dma_start3A_267, %dma_start3A_268] : memref<324x128xf32, #tpu.memory_space<vmem_shared>> -> memref<324x128xf32, #tpu.memory_space<vmem_shared>>
        tpu.enqueue_indirect_dma source(%dma_start3A_269 : memref<324x128xf32, #tpu.memory_space<vmem_shared>>) target(%dma_start3A_265 : memref<128x128xf32, #tpu.memory_space<vmem>>) offsets(%dma_start3A_266 : memref<128xi32, #tpu.memory_space<vmem>>) semaphore(%arg12 : memref<!tpu.dma_semaphore, #tpu.memory_space<semaphore_mem>>)
      } else {
      }
      %dma_wait3A_127 = arith.constant 0 : i32
      %dma_wait3A_128 = arith.constant 0 : i32
      %dma_wait3A_129 = arith.constant 0 : i32
      %dma_wait3A_130 = tpu.memref_slice %arg7[%dma_wait3A_127, %dma_wait3A_128, %dma_wait3A_129] : memref<4x128x128xf32, #tpu.memory_space<vmem>> -> memref<1x128x128xf32, #tpu.memory_space<vmem>>
      %dma_wait3A_131 = tpu.memref_squeeze %dma_wait3A_130 : memref<1x128x128xf32, #tpu.memory_space<vmem>> -> memref<128x128xf32, #tpu.memory_space<vmem>>
      %dma_wait3A_132 = arith.constant 0 : i32
      %dma_wait3A_133 = tpu.memref_slice %arg6[%dma_wait3A_132] : memref<31360xi32, #tpu.memory_space<vmem>> -> memref<128xi32, #tpu.memory_space<vmem>>
      %dma_wait3A_134 = arith.constant 0 : i32
      %dma_wait3A_135 = arith.constant 0 : i32
      %dma_wait3A_136 = tpu.memref_slice %arg5[%dma_wait3A_134, %dma_wait3A_135] : memref<324x128xf32, #tpu.memory_space<vmem_shared>> -> memref<324x128xf32, #tpu.memory_space<vmem_shared>>
      tpu.wait_indirect_dma semaphore(%arg10 : memref<!tpu.dma_semaphore, #tpu.memory_space<semaphore_mem>>) src(%dma_wait3A_136 : memref<324x128xf32, #tpu.memory_space<vmem_shared>>) dst(%dma_wait3A_131 : memref<128x128xf32, #tpu.memory_space<vmem>>)
      %add3A_137 = arith.addi %add3A_6, %add3A_120 : i32
      %mul3A_138 = arith.constant 128 : i32
      %mul3A_139 = arith.muli %add3A_137, %mul3A_138 : i32
      %dma_start3A_140 = arith.constant 0 : i32
      %dma_start3A_141 = arith.constant 0 : i32
      %dma_start3A_142 = arith.constant 0 : i32
      %dma_start3A_143 = tpu.memref_slice %arg7[%dma_start3A_140, %dma_start3A_141, %dma_start3A_142] : memref<4x128x128xf32, #tpu.memory_space<vmem>> -> memref<1x128x128xf32, #tpu.memory_space<vmem>>
      %dma_start3A_144 = tpu.memref_squeeze %dma_start3A_143 : memref<1x128x128xf32, #tpu.memory_space<vmem>> -> memref<128x128xf32, #tpu.memory_space<vmem>>
      %dma_start3A_145 = arith.constant 0 : i32
      %dma_start3A_146 = tpu.memref_slice %arg4[%mul3A_139, %dma_start3A_145] : memref<1000000x128xf32, #tpu.memory_space<hbm>> -> memref<128x128xf32, #tpu.memory_space<hbm>>
      %dma_start3A_147 = arith.constant 0 : i32
      %dma_start3A_148 = tpu.memref_slice %arg4[%mul3A_139, %dma_start3A_147] : memref<1000000x128xf32, #tpu.memory_space<hbm>> -> memref<128x128xf32, #tpu.memory_space<hbm>>
      %dma_start3A_149 = arith.constant 0 : i32
      %dma_start3A_150 = arith.constant 0 : i32
      %dma_start3A_151 = tpu.memref_slice %arg7[%dma_start3A_140, %dma_start3A_149, %dma_start3A_150] : memref<4x128x128xf32, #tpu.memory_space<vmem>> -> memref<1x128x128xf32, #tpu.memory_space<vmem>>
      %dma_start3A_152 = tpu.memref_squeeze %dma_start3A_151 : memref<1x128x128xf32, #tpu.memory_space<vmem>> -> memref<128x128xf32, #tpu.memory_space<vmem>>
      tpu.enqueue_dma source(%dma_start3A_152 : memref<128x128xf32, #tpu.memory_space<vmem>>) target(%dma_start3A_148 : memref<128x128xf32, #tpu.memory_space<hbm>>) target_semaphore(%arg14 : memref<!tpu.dma_semaphore, #tpu.memory_space<semaphore_mem>>)
      %add3A_153 = arith.constant 1 : i32
      %add3A_154 = arith.addi %mul3A_118, %add3A_153 : i32
      %add3A_155 = arith.constant 2 : i32
      %add3A_156 = arith.addi %add3A_154, %add3A_155 : i32
      %lt3A_157 = arith.cmpi slt, %add3A_156, %add3A_10 : i32
      %convert_element_type3A_158 = arith.extui %lt3A_157 : i1 to i32
      %cond3A_159 = arith.constant 0 : i32
      %cond3A_160 = arith.cmpi ne, %convert_element_type3A_158, %cond3A_159 : i32
      scf.if %cond3A_160 {
        %ge3A = arith.constant 4 : i32
        %ge3A_255 = arith.cmpi sge, %add3A_156, %ge3A : i32
        %convert_element_type3A_256 = arith.extui %ge3A_255 : i1 to i32
        %cond3A_257 = arith.constant 0 : i32
        %cond3A_258 = arith.cmpi ne, %convert_element_type3A_256, %cond3A_257 : i32
        scf.if %cond3A_258 {
          %dma_wait3A_270 = arith.constant 3 : i32
          %dma_wait3A_271 = arith.constant 0 : i32
          %dma_wait3A_272 = arith.constant 0 : i32
          %dma_wait3A_273 = tpu.memref_slice %arg7[%dma_wait3A_270, %dma_wait3A_271, %dma_wait3A_272] : memref<4x128x128xf32, #tpu.memory_space<vmem>> -> memref<1x128x128xf32, #tpu.memory_space<vmem>>
          %dma_wait3A_274 = tpu.memref_squeeze %dma_wait3A_273 : memref<1x128x128xf32, #tpu.memory_space<vmem>> -> memref<128x128xf32, #tpu.memory_space<vmem>>
          %dma_wait3A_275 = arith.constant 0 : i32
          %dma_wait3A_276 = arith.constant 0 : i32
          %dma_wait3A_277 = tpu.memref_slice %arg4[%dma_wait3A_275, %dma_wait3A_276] : memref<1000000x128xf32, #tpu.memory_space<hbm>> -> memref<128x128xf32, #tpu.memory_space<hbm>>
          %dma_wait3A_278 = arith.constant 0 : i32
          %dma_wait3A_279 = arith.constant 0 : i32
          %dma_wait3A_280 = tpu.memref_slice %arg4[%dma_wait3A_278, %dma_wait3A_279] : memref<1000000x128xf32, #tpu.memory_space<hbm>> -> memref<128x128xf32, #tpu.memory_space<hbm>>
          %dma_wait3A_281 = arith.constant 0 : i32
          %dma_wait3A_282 = arith.constant 0 : i32
          %dma_wait3A_283 = tpu.memref_slice %arg7[%dma_wait3A_270, %dma_wait3A_281, %dma_wait3A_282] : memref<4x128x128xf32, #tpu.memory_space<vmem>> -> memref<1x128x128xf32, #tpu.memory_space<vmem>>
          %dma_wait3A_284 = tpu.memref_squeeze %dma_wait3A_283 : memref<1x128x128xf32, #tpu.memory_space<vmem>> -> memref<128x128xf32, #tpu.memory_space<vmem>>
          tpu.wait_dma2 semaphore(%arg17 : memref<!tpu.dma_semaphore, #tpu.memory_space<semaphore_mem>>) src(%dma_wait3A_284 : memref<128x128xf32, #tpu.memory_space<vmem>>) dst(%dma_wait3A_280 : memref<128x128xf32, #tpu.memory_space<hbm>>)
        } else {
        }
        %mul3A_259 = arith.constant 128 : i32
        %mul3A_260 = arith.muli %add3A_156, %mul3A_259 : i32
        %dma_start3A_261 = arith.constant 3 : i32
        %dma_start3A_262 = arith.constant 0 : i32
        %dma_start3A_263 = arith.constant 0 : i32
        %dma_start3A_264 = tpu.memref_slice %arg7[%dma_start3A_261, %dma_start3A_262, %dma_start3A_263] : memref<4x128x128xf32, #tpu.memory_space<vmem>> -> memref<1x128x128xf32, #tpu.memory_space<vmem>>
        %dma_start3A_265 = tpu.memref_squeeze %dma_start3A_264 : memref<1x128x128xf32, #tpu.memory_space<vmem>> -> memref<128x128xf32, #tpu.memory_space<vmem>>
        %dma_start3A_266 = tpu.memref_slice %arg6[%mul3A_260] : memref<31360xi32, #tpu.memory_space<vmem>> -> memref<128xi32, #tpu.memory_space<vmem>>
        %dma_start3A_267 = arith.constant 0 : i32
        %dma_start3A_268 = arith.constant 0 : i32
        %dma_start3A_269 = tpu.memref_slice %arg5[%dma_start3A_267, %dma_start3A_268] : memref<324x128xf32, #tpu.memory_space<vmem_shared>> -> memref<324x128xf32, #tpu.memory_space<vmem_shared>>
        tpu.enqueue_indirect_dma source(%dma_start3A_269 : memref<324x128xf32, #tpu.memory_space<vmem_shared>>) target(%dma_start3A_265 : memref<128x128xf32, #tpu.memory_space<vmem>>) offsets(%dma_start3A_266 : memref<128xi32, #tpu.memory_space<vmem>>) semaphore(%arg13 : memref<!tpu.dma_semaphore, #tpu.memory_space<semaphore_mem>>)
      } else {
      }
      %dma_wait3A_161 = arith.constant 1 : i32
      %dma_wait3A_162 = arith.constant 0 : i32
      %dma_wait3A_163 = arith.constant 0 : i32
      %dma_wait3A_164 = tpu.memref_slice %arg7[%dma_wait3A_161, %dma_wait3A_162, %dma_wait3A_163] : memref<4x128x128xf32, #tpu.memory_space<vmem>> -> memref<1x128x128xf32, #tpu.memory_space<vmem>>
      %dma_wait3A_165 = tpu.memref_squeeze %dma_wait3A_164 : memref<1x128x128xf32, #tpu.memory_space<vmem>> -> memref<128x128xf32, #tpu.memory_space<vmem>>
      %dma_wait3A_166 = arith.constant 0 : i32
      %dma_wait3A_167 = tpu.memref_slice %arg6[%dma_wait3A_166] : memref<31360xi32, #tpu.memory_space<vmem>> -> memref<128xi32, #tpu.memory_space<vmem>>
      %dma_wait3A_168 = arith.constant 0 : i32
      %dma_wait3A_169 = arith.constant 0 : i32
      %dma_wait3A_170 = tpu.memref_slice %arg5[%dma_wait3A_168, %dma_wait3A_169] : memref<324x128xf32, #tpu.memory_space<vmem_shared>> -> memref<324x128xf32, #tpu.memory_space<vmem_shared>>
      tpu.wait_indirect_dma semaphore(%arg11 : memref<!tpu.dma_semaphore, #tpu.memory_space<semaphore_mem>>) src(%dma_wait3A_170 : memref<324x128xf32, #tpu.memory_space<vmem_shared>>) dst(%dma_wait3A_165 : memref<128x128xf32, #tpu.memory_space<vmem>>)
      %add3A_171 = arith.addi %add3A_6, %add3A_154 : i32
      %mul3A_172 = arith.constant 128 : i32
      %mul3A_173 = arith.muli %add3A_171, %mul3A_172 : i32
      %dma_start3A_174 = arith.constant 1 : i32
      %dma_start3A_175 = arith.constant 0 : i32
      %dma_start3A_176 = arith.constant 0 : i32
      %dma_start3A_177 = tpu.memref_slice %arg7[%dma_start3A_174, %dma_start3A_175, %dma_start3A_176] : memref<4x128x128xf32, #tpu.memory_space<vmem>> -> memref<1x128x128xf32, #tpu.memory_space<vmem>>
      %dma_start3A_178 = tpu.memref_squeeze %dma_start3A_177 : memref<1x128x128xf32, #tpu.memory_space<vmem>> -> memref<128x128xf32, #tpu.memory_space<vmem>>
      %dma_start3A_179 = arith.constant 0 : i32
      %dma_start3A_180 = tpu.memref_slice %arg4[%mul3A_173, %dma_start3A_179] : memref<1000000x128xf32, #tpu.memory_space<hbm>> -> memref<128x128xf32, #tpu.memory_space<hbm>>
      %dma_start3A_181 = arith.constant 0 : i32
      %dma_start3A_182 = tpu.memref_slice %arg4[%mul3A_173, %dma_start3A_181] : memref<1000000x128xf32, #tpu.memory_space<hbm>> -> memref<128x128xf32, #tpu.memory_space<hbm>>
      %dma_start3A_183 = arith.constant 0 : i32
      %dma_start3A_184 = arith.constant 0 : i32
      %dma_start3A_185 = tpu.memref_slice %arg7[%dma_start3A_174, %dma_start3A_183, %dma_start3A_184] : memref<4x128x128xf32, #tpu.memory_space<vmem>> -> memref<1x128x128xf32, #tpu.memory_space<vmem>>
      %dma_start3A_186 = tpu.memref_squeeze %dma_start3A_185 : memref<1x128x128xf32, #tpu.memory_space<vmem>> -> memref<128x128xf32, #tpu.memory_space<vmem>>
      tpu.enqueue_dma source(%dma_start3A_186 : memref<128x128xf32, #tpu.memory_space<vmem>>) target(%dma_start3A_182 : memref<128x128xf32, #tpu.memory_space<hbm>>) target_semaphore(%arg15 : memref<!tpu.dma_semaphore, #tpu.memory_space<semaphore_mem>>)
      %add3A_187 = arith.constant 2 : i32
      %add3A_188 = arith.addi %mul3A_118, %add3A_187 : i32
      %add3A_189 = arith.constant 2 : i32
      %add3A_190 = arith.addi %add3A_188, %add3A_189 : i32
      %lt3A_191 = arith.cmpi slt, %add3A_190, %add3A_10 : i32
      %convert_element_type3A_192 = arith.extui %lt3A_191 : i1 to i32
      %cond3A_193 = arith.constant 0 : i32
      %cond3A_194 = arith.cmpi ne, %convert_element_type3A_192, %cond3A_193 : i32
      scf.if %cond3A_194 {
        %ge3A = arith.constant 4 : i32
        %ge3A_255 = arith.cmpi sge, %add3A_190, %ge3A : i32
        %convert_element_type3A_256 = arith.extui %ge3A_255 : i1 to i32
        %cond3A_257 = arith.constant 0 : i32
        %cond3A_258 = arith.cmpi ne, %convert_element_type3A_256, %cond3A_257 : i32
        scf.if %cond3A_258 {
          %dma_wait3A_270 = arith.constant 0 : i32
          %dma_wait3A_271 = arith.constant 0 : i32
          %dma_wait3A_272 = arith.constant 0 : i32
          %dma_wait3A_273 = tpu.memref_slice %arg7[%dma_wait3A_270, %dma_wait3A_271, %dma_wait3A_272] : memref<4x128x128xf32, #tpu.memory_space<vmem>> -> memref<1x128x128xf32, #tpu.memory_space<vmem>>
          %dma_wait3A_274 = tpu.memref_squeeze %dma_wait3A_273 : memref<1x128x128xf32, #tpu.memory_space<vmem>> -> memref<128x128xf32, #tpu.memory_space<vmem>>
          %dma_wait3A_275 = arith.constant 0 : i32
          %dma_wait3A_276 = arith.constant 0 : i32
          %dma_wait3A_277 = tpu.memref_slice %arg4[%dma_wait3A_275, %dma_wait3A_276] : memref<1000000x128xf32, #tpu.memory_space<hbm>> -> memref<128x128xf32, #tpu.memory_space<hbm>>
          %dma_wait3A_278 = arith.constant 0 : i32
          %dma_wait3A_279 = arith.constant 0 : i32
          %dma_wait3A_280 = tpu.memref_slice %arg4[%dma_wait3A_278, %dma_wait3A_279] : memref<1000000x128xf32, #tpu.memory_space<hbm>> -> memref<128x128xf32, #tpu.memory_space<hbm>>
          %dma_wait3A_281 = arith.constant 0 : i32
          %dma_wait3A_282 = arith.constant 0 : i32
          %dma_wait3A_283 = tpu.memref_slice %arg7[%dma_wait3A_270, %dma_wait3A_281, %dma_wait3A_282] : memref<4x128x128xf32, #tpu.memory_space<vmem>> -> memref<1x128x128xf32, #tpu.memory_space<vmem>>
          %dma_wait3A_284 = tpu.memref_squeeze %dma_wait3A_283 : memref<1x128x128xf32, #tpu.memory_space<vmem>> -> memref<128x128xf32, #tpu.memory_space<vmem>>
          tpu.wait_dma2 semaphore(%arg14 : memref<!tpu.dma_semaphore, #tpu.memory_space<semaphore_mem>>) src(%dma_wait3A_284 : memref<128x128xf32, #tpu.memory_space<vmem>>) dst(%dma_wait3A_280 : memref<128x128xf32, #tpu.memory_space<hbm>>)
        } else {
        }
        %mul3A_259 = arith.constant 128 : i32
        %mul3A_260 = arith.muli %add3A_190, %mul3A_259 : i32
        %dma_start3A_261 = arith.constant 0 : i32
        %dma_start3A_262 = arith.constant 0 : i32
        %dma_start3A_263 = arith.constant 0 : i32
        %dma_start3A_264 = tpu.memref_slice %arg7[%dma_start3A_261, %dma_start3A_262, %dma_start3A_263] : memref<4x128x128xf32, #tpu.memory_space<vmem>> -> memref<1x128x128xf32, #tpu.memory_space<vmem>>
        %dma_start3A_265 = tpu.memref_squeeze %dma_start3A_264 : memref<1x128x128xf32, #tpu.memory_space<vmem>> -> memref<128x128xf32, #tpu.memory_space<vmem>>
        %dma_start3A_266 = tpu.memref_slice %arg6[%mul3A_260] : memref<31360xi32, #tpu.memory_space<vmem>> -> memref<128xi32, #tpu.memory_space<vmem>>
        %dma_start3A_267 = arith.constant 0 : i32
        %dma_start3A_268 = arith.constant 0 : i32
        %dma_start3A_269 = tpu.memref_slice %arg5[%dma_start3A_267, %dma_start3A_268] : memref<324x128xf32, #tpu.memory_space<vmem_shared>> -> memref<324x128xf32, #tpu.memory_space<vmem_shared>>
        tpu.enqueue_indirect_dma source(%dma_start3A_269 : memref<324x128xf32, #tpu.memory_space<vmem_shared>>) target(%dma_start3A_265 : memref<128x128xf32, #tpu.memory_space<vmem>>) offsets(%dma_start3A_266 : memref<128xi32, #tpu.memory_space<vmem>>) semaphore(%arg10 : memref<!tpu.dma_semaphore, #tpu.memory_space<semaphore_mem>>)
      } else {
      }
      %dma_wait3A_195 = arith.constant 2 : i32
      %dma_wait3A_196 = arith.constant 0 : i32
      %dma_wait3A_197 = arith.constant 0 : i32
      %dma_wait3A_198 = tpu.memref_slice %arg7[%dma_wait3A_195, %dma_wait3A_196, %dma_wait3A_197] : memref<4x128x128xf32, #tpu.memory_space<vmem>> -> memref<1x128x128xf32, #tpu.memory_space<vmem>>
      %dma_wait3A_199 = tpu.memref_squeeze %dma_wait3A_198 : memref<1x128x128xf32, #tpu.memory_space<vmem>> -> memref<128x128xf32, #tpu.memory_space<vmem>>
      %dma_wait3A_200 = arith.constant 0 : i32
      %dma_wait3A_201 = tpu.memref_slice %arg6[%dma_wait3A_200] : memref<31360xi32, #tpu.memory_space<vmem>> -> memref<128xi32, #tpu.memory_space<vmem>>
      %dma_wait3A_202 = arith.constant 0 : i32
      %dma_wait3A_203 = arith.constant 0 : i32
      %dma_wait3A_204 = tpu.memref_slice %arg5[%dma_wait3A_202, %dma_wait3A_203] : memref<324x128xf32, #tpu.memory_space<vmem_shared>> -> memref<324x128xf32, #tpu.memory_space<vmem_shared>>
      tpu.wait_indirect_dma semaphore(%arg12 : memref<!tpu.dma_semaphore, #tpu.memory_space<semaphore_mem>>) src(%dma_wait3A_204 : memref<324x128xf32, #tpu.memory_space<vmem_shared>>) dst(%dma_wait3A_199 : memref<128x128xf32, #tpu.memory_space<vmem>>)
      %add3A_205 = arith.addi %add3A_6, %add3A_188 : i32
      %mul3A_206 = arith.constant 128 : i32
      %mul3A_207 = arith.muli %add3A_205, %mul3A_206 : i32
      %dma_start3A_208 = arith.constant 2 : i32
      %dma_start3A_209 = arith.constant 0 : i32
      %dma_start3A_210 = arith.constant 0 : i32
      %dma_start3A_211 = tpu.memref_slice %arg7[%dma_start3A_208, %dma_start3A_209, %dma_start3A_210] : memref<4x128x128xf32, #tpu.memory_space<vmem>> -> memref<1x128x128xf32, #tpu.memory_space<vmem>>
      %dma_start3A_212 = tpu.memref_squeeze %dma_start3A_211 : memref<1x128x128xf32, #tpu.memory_space<vmem>> -> memref<128x128xf32, #tpu.memory_space<vmem>>
      %dma_start3A_213 = arith.constant 0 : i32
      %dma_start3A_214 = tpu.memref_slice %arg4[%mul3A_207, %dma_start3A_213] : memref<1000000x128xf32, #tpu.memory_space<hbm>> -> memref<128x128xf32, #tpu.memory_space<hbm>>
      %dma_start3A_215 = arith.constant 0 : i32
      %dma_start3A_216 = tpu.memref_slice %arg4[%mul3A_207, %dma_start3A_215] : memref<1000000x128xf32, #tpu.memory_space<hbm>> -> memref<128x128xf32, #tpu.memory_space<hbm>>
      %dma_start3A_217 = arith.constant 0 : i32
      %dma_start3A_218 = arith.constant 0 : i32
      %dma_start3A_219 = tpu.memref_slice %arg7[%dma_start3A_208, %dma_start3A_217, %dma_start3A_218] : memref<4x128x128xf32, #tpu.memory_space<vmem>> -> memref<1x128x128xf32, #tpu.memory_space<vmem>>
      %dma_start3A_220 = tpu.memref_squeeze %dma_start3A_219 : memref<1x128x128xf32, #tpu.memory_space<vmem>> -> memref<128x128xf32, #tpu.memory_space<vmem>>
      tpu.enqueue_dma source(%dma_start3A_220 : memref<128x128xf32, #tpu.memory_space<vmem>>) target(%dma_start3A_216 : memref<128x128xf32, #tpu.memory_space<hbm>>) target_semaphore(%arg16 : memref<!tpu.dma_semaphore, #tpu.memory_space<semaphore_mem>>)
      %add3A_221 = arith.constant 3 : i32
      %add3A_222 = arith.addi %mul3A_118, %add3A_221 : i32
      %add3A_223 = arith.constant 2 : i32
      %add3A_224 = arith.addi %add3A_222, %add3A_223 : i32
      %lt3A_225 = arith.cmpi slt, %add3A_224, %add3A_10 : i32
      %convert_element_type3A_226 = arith.extui %lt3A_225 : i1 to i32
      %cond3A_227 = arith.constant 0 : i32
      %cond3A_228 = arith.cmpi ne, %convert_element_type3A_226, %cond3A_227 : i32
      scf.if %cond3A_228 {
        %ge3A = arith.constant 4 : i32
        %ge3A_255 = arith.cmpi sge, %add3A_224, %ge3A : i32
        %convert_element_type3A_256 = arith.extui %ge3A_255 : i1 to i32
        %cond3A_257 = arith.constant 0 : i32
        %cond3A_258 = arith.cmpi ne, %convert_element_type3A_256, %cond3A_257 : i32
        scf.if %cond3A_258 {
          %dma_wait3A_270 = arith.constant 1 : i32
          %dma_wait3A_271 = arith.constant 0 : i32
          %dma_wait3A_272 = arith.constant 0 : i32
          %dma_wait3A_273 = tpu.memref_slice %arg7[%dma_wait3A_270, %dma_wait3A_271, %dma_wait3A_272] : memref<4x128x128xf32, #tpu.memory_space<vmem>> -> memref<1x128x128xf32, #tpu.memory_space<vmem>>
          %dma_wait3A_274 = tpu.memref_squeeze %dma_wait3A_273 : memref<1x128x128xf32, #tpu.memory_space<vmem>> -> memref<128x128xf32, #tpu.memory_space<vmem>>
          %dma_wait3A_275 = arith.constant 0 : i32
          %dma_wait3A_276 = arith.constant 0 : i32
          %dma_wait3A_277 = tpu.memref_slice %arg4[%dma_wait3A_275, %dma_wait3A_276] : memref<1000000x128xf32, #tpu.memory_space<hbm>> -> memref<128x128xf32, #tpu.memory_space<hbm>>
          %dma_wait3A_278 = arith.constant 0 : i32
          %dma_wait3A_279 = arith.constant 0 : i32
          %dma_wait3A_280 = tpu.memref_slice %arg4[%dma_wait3A_278, %dma_wait3A_279] : memref<1000000x128xf32, #tpu.memory_space<hbm>> -> memref<128x128xf32, #tpu.memory_space<hbm>>
          %dma_wait3A_281 = arith.constant 0 : i32
          %dma_wait3A_282 = arith.constant 0 : i32
          %dma_wait3A_283 = tpu.memref_slice %arg7[%dma_wait3A_270, %dma_wait3A_281, %dma_wait3A_282] : memref<4x128x128xf32, #tpu.memory_space<vmem>> -> memref<1x128x128xf32, #tpu.memory_space<vmem>>
          %dma_wait3A_284 = tpu.memref_squeeze %dma_wait3A_283 : memref<1x128x128xf32, #tpu.memory_space<vmem>> -> memref<128x128xf32, #tpu.memory_space<vmem>>
          tpu.wait_dma2 semaphore(%arg15 : memref<!tpu.dma_semaphore, #tpu.memory_space<semaphore_mem>>) src(%dma_wait3A_284 : memref<128x128xf32, #tpu.memory_space<vmem>>) dst(%dma_wait3A_280 : memref<128x128xf32, #tpu.memory_space<hbm>>)
        } else {
        }
        %mul3A_259 = arith.constant 128 : i32
        %mul3A_260 = arith.muli %add3A_224, %mul3A_259 : i32
        %dma_start3A_261 = arith.constant 1 : i32
        %dma_start3A_262 = arith.constant 0 : i32
        %dma_start3A_263 = arith.constant 0 : i32
        %dma_start3A_264 = tpu.memref_slice %arg7[%dma_start3A_261, %dma_start3A_262, %dma_start3A_263] : memref<4x128x128xf32, #tpu.memory_space<vmem>> -> memref<1x128x128xf32, #tpu.memory_space<vmem>>
        %dma_start3A_265 = tpu.memref_squeeze %dma_start3A_264 : memref<1x128x128xf32, #tpu.memory_space<vmem>> -> memref<128x128xf32, #tpu.memory_space<vmem>>
        %dma_start3A_266 = tpu.memref_slice %arg6[%mul3A_260] : memref<31360xi32, #tpu.memory_space<vmem>> -> memref<128xi32, #tpu.memory_space<vmem>>
        %dma_start3A_267 = arith.constant 0 : i32
        %dma_start3A_268 = arith.constant 0 : i32
        %dma_start3A_269 = tpu.memref_slice %arg5[%dma_start3A_267, %dma_start3A_268] : memref<324x128xf32, #tpu.memory_space<vmem_shared>> -> memref<324x128xf32, #tpu.memory_space<vmem_shared>>
        tpu.enqueue_indirect_dma source(%dma_start3A_269 : memref<324x128xf32, #tpu.memory_space<vmem_shared>>) target(%dma_start3A_265 : memref<128x128xf32, #tpu.memory_space<vmem>>) offsets(%dma_start3A_266 : memref<128xi32, #tpu.memory_space<vmem>>) semaphore(%arg11 : memref<!tpu.dma_semaphore, #tpu.memory_space<semaphore_mem>>)
      } else {
      }
      %dma_wait3A_229 = arith.constant 3 : i32
      %dma_wait3A_230 = arith.constant 0 : i32
      %dma_wait3A_231 = arith.constant 0 : i32
      %dma_wait3A_232 = tpu.memref_slice %arg7[%dma_wait3A_229, %dma_wait3A_230, %dma_wait3A_231] : memref<4x128x128xf32, #tpu.memory_space<vmem>> -> memref<1x128x128xf32, #tpu.memory_space<vmem>>
      %dma_wait3A_233 = tpu.memref_squeeze %dma_wait3A_232 : memref<1x128x128xf32, #tpu.memory_space<vmem>> -> memref<128x128xf32, #tpu.memory_space<vmem>>
      %dma_wait3A_234 = arith.constant 0 : i32
      %dma_wait3A_235 = tpu.memref_slice %arg6[%dma_wait3A_234] : memref<31360xi32, #tpu.memory_space<vmem>> -> memref<128xi32, #tpu.memory_space<vmem>>
      %dma_wait3A_236 = arith.constant 0 : i32
      %dma_wait3A_237 = arith.constant 0 : i32
      %dma_wait3A_238 = tpu.memref_slice %arg5[%dma_wait3A_236, %dma_wait3A_237] : memref<324x128xf32, #tpu.memory_space<vmem_shared>> -> memref<324x128xf32, #tpu.memory_space<vmem_shared>>
      tpu.wait_indirect_dma semaphore(%arg13 : memref<!tpu.dma_semaphore, #tpu.memory_space<semaphore_mem>>) src(%dma_wait3A_238 : memref<324x128xf32, #tpu.memory_space<vmem_shared>>) dst(%dma_wait3A_233 : memref<128x128xf32, #tpu.memory_space<vmem>>)
      %add3A_239 = arith.addi %add3A_6, %add3A_222 : i32
      %mul3A_240 = arith.constant 128 : i32
      %mul3A_241 = arith.muli %add3A_239, %mul3A_240 : i32
      %dma_start3A_242 = arith.constant 3 : i32
      %dma_start3A_243 = arith.constant 0 : i32
      %dma_start3A_244 = arith.constant 0 : i32
      %dma_start3A_245 = tpu.memref_slice %arg7[%dma_start3A_242, %dma_start3A_243, %dma_start3A_244] : memref<4x128x128xf32, #tpu.memory_space<vmem>> -> memref<1x128x128xf32, #tpu.memory_space<vmem>>
      %dma_start3A_246 = tpu.memref_squeeze %dma_start3A_245 : memref<1x128x128xf32, #tpu.memory_space<vmem>> -> memref<128x128xf32, #tpu.memory_space<vmem>>
      %dma_start3A_247 = arith.constant 0 : i32
      %dma_start3A_248 = tpu.memref_slice %arg4[%mul3A_241, %dma_start3A_247] : memref<1000000x128xf32, #tpu.memory_space<hbm>> -> memref<128x128xf32, #tpu.memory_space<hbm>>
      %dma_start3A_249 = arith.constant 0 : i32
      %dma_start3A_250 = tpu.memref_slice %arg4[%mul3A_241, %dma_start3A_249] : memref<1000000x128xf32, #tpu.memory_space<hbm>> -> memref<128x128xf32, #tpu.memory_space<hbm>>
      %dma_start3A_251 = arith.constant 0 : i32
      %dma_start3A_252 = arith.constant 0 : i32
      %dma_start3A_253 = tpu.memref_slice %arg7[%dma_start3A_242, %dma_start3A_251, %dma_start3A_252] : memref<4x128x128xf32, #tpu.memory_space<vmem>> -> memref<1x128x128xf32, #tpu.memory_space<vmem>>
      %dma_start3A_254 = tpu.memref_squeeze %dma_start3A_253 : memref<1x128x128xf32, #tpu.memory_space<vmem>> -> memref<128x128xf32, #tpu.memory_space<vmem>>
      tpu.enqueue_dma source(%dma_start3A_254 : memref<128x128xf32, #tpu.memory_space<vmem>>) target(%dma_start3A_250 : memref<128x128xf32, #tpu.memory_space<hbm>>) target_semaphore(%arg17 : memref<!tpu.dma_semaphore, #tpu.memory_space<semaphore_mem>>)
    }
    %scan3A_46 = arith.constant 61 : i32
    %gt3A_47 = arith.constant 244 : i32
    %gt3A_48 = arith.cmpi sgt, %add3A_10, %gt3A_47 : i32
    %convert_element_type3A_49 = arith.extui %gt3A_48 : i1 to i32
    %cond3A_50 = arith.constant 0 : i32
    %cond3A_51 = arith.cmpi ne, %convert_element_type3A_49, %cond3A_50 : i32
    scf.if %cond3A_51 {
      %dma_wait3A_116 = arith.constant 0 : i32
      %dma_wait3A_117 = arith.constant 0 : i32
      %dma_wait3A_118 = arith.constant 0 : i32
      %dma_wait3A_119 = tpu.memref_slice %arg7[%dma_wait3A_116, %dma_wait3A_117, %dma_wait3A_118] : memref<4x128x128xf32, #tpu.memory_space<vmem>> -> memref<1x128x128xf32, #tpu.memory_space<vmem>>
      %dma_wait3A_120 = tpu.memref_squeeze %dma_wait3A_119 : memref<1x128x128xf32, #tpu.memory_space<vmem>> -> memref<128x128xf32, #tpu.memory_space<vmem>>
      %dma_wait3A_121 = arith.constant 0 : i32
      %dma_wait3A_122 = tpu.memref_slice %arg6[%dma_wait3A_121] : memref<31360xi32, #tpu.memory_space<vmem>> -> memref<128xi32, #tpu.memory_space<vmem>>
      %dma_wait3A_123 = arith.constant 0 : i32
      %dma_wait3A_124 = arith.constant 0 : i32
      %dma_wait3A_125 = tpu.memref_slice %arg5[%dma_wait3A_123, %dma_wait3A_124] : memref<324x128xf32, #tpu.memory_space<vmem_shared>> -> memref<324x128xf32, #tpu.memory_space<vmem_shared>>
      tpu.wait_indirect_dma semaphore(%arg10 : memref<!tpu.dma_semaphore, #tpu.memory_space<semaphore_mem>>) src(%dma_wait3A_125 : memref<324x128xf32, #tpu.memory_space<vmem_shared>>) dst(%dma_wait3A_120 : memref<128x128xf32, #tpu.memory_space<vmem>>)
      %add3A_126 = arith.constant 244 : i32
      %add3A_127 = arith.addi %add3A_6, %add3A_126 : i32
      %mul3A_128 = arith.constant 128 : i32
      %mul3A_129 = arith.muli %add3A_127, %mul3A_128 : i32
      %dma_start3A_130 = arith.constant 0 : i32
      %dma_start3A_131 = arith.constant 0 : i32
      %dma_start3A_132 = arith.constant 0 : i32
      %dma_start3A_133 = tpu.memref_slice %arg7[%dma_start3A_130, %dma_start3A_131, %dma_start3A_132] : memref<4x128x128xf32, #tpu.memory_space<vmem>> -> memref<1x128x128xf32, #tpu.memory_space<vmem>>
      %dma_start3A_134 = tpu.memref_squeeze %dma_start3A_133 : memref<1x128x128xf32, #tpu.memory_space<vmem>> -> memref<128x128xf32, #tpu.memory_space<vmem>>
      %dma_start3A_135 = arith.constant 0 : i32
      %dma_start3A_136 = tpu.memref_slice %arg4[%mul3A_129, %dma_start3A_135] : memref<1000000x128xf32, #tpu.memory_space<hbm>> -> memref<128x128xf32, #tpu.memory_space<hbm>>
      %dma_start3A_137 = arith.constant 0 : i32
      %dma_start3A_138 = tpu.memref_slice %arg4[%mul3A_129, %dma_start3A_137] : memref<1000000x128xf32, #tpu.memory_space<hbm>> -> memref<128x128xf32, #tpu.memory_space<hbm>>
      %dma_start3A_139 = arith.constant 0 : i32
      %dma_start3A_140 = arith.constant 0 : i32
      %dma_start3A_141 = tpu.memref_slice %arg7[%dma_start3A_130, %dma_start3A_139, %dma_start3A_140] : memref<4x128x128xf32, #tpu.memory_space<vmem>> -> memref<1x128x128xf32, #tpu.memory_space<vmem>>
      %dma_start3A_142 = tpu.memref_squeeze %dma_start3A_141 : memref<1x128x128xf32, #tpu.memory_space<vmem>> -> memref<128x128xf32, #tpu.memory_space<vmem>>
      tpu.enqueue_dma source(%dma_start3A_142 : memref<128x128xf32, #tpu.memory_space<vmem>>) target(%dma_start3A_138 : memref<128x128xf32, #tpu.memory_space<hbm>>) target_semaphore(%arg14 : memref<!tpu.dma_semaphore, #tpu.memory_space<semaphore_mem>>)
    } else {
    }
    %dma_wait3A = arith.constant 0 : i32
    %dma_wait3A_52 = arith.constant 0 : i32
    %dma_wait3A_53 = arith.constant 0 : i32
    %dma_wait3A_54 = tpu.memref_slice %arg7[%dma_wait3A, %dma_wait3A_52, %dma_wait3A_53] : memref<4x128x128xf32, #tpu.memory_space<vmem>> -> memref<1x128x128xf32, #tpu.memory_space<vmem>>
    %dma_wait3A_55 = tpu.memref_squeeze %dma_wait3A_54 : memref<1x128x128xf32, #tpu.memory_space<vmem>> -> memref<128x128xf32, #tpu.memory_space<vmem>>
    %dma_wait3A_56 = arith.constant 0 : i32
    %dma_wait3A_57 = arith.constant 0 : i32
    %dma_wait3A_58 = tpu.memref_slice %arg4[%dma_wait3A_56, %dma_wait3A_57] : memref<1000000x128xf32, #tpu.memory_space<hbm>> -> memref<128x128xf32, #tpu.memory_space<hbm>>
    %dma_wait3A_59 = arith.constant 0 : i32
    %dma_wait3A_60 = arith.constant 0 : i32
    %dma_wait3A_61 = tpu.memref_slice %arg4[%dma_wait3A_59, %dma_wait3A_60] : memref<1000000x128xf32, #tpu.memory_space<hbm>> -> memref<128x128xf32, #tpu.memory_space<hbm>>
    %dma_wait3A_62 = arith.constant 0 : i32
    %dma_wait3A_63 = arith.constant 0 : i32
    %dma_wait3A_64 = tpu.memref_slice %arg7[%dma_wait3A, %dma_wait3A_62, %dma_wait3A_63] : memref<4x128x128xf32, #tpu.memory_space<vmem>> -> memref<1x128x128xf32, #tpu.memory_space<vmem>>
    %dma_wait3A_65 = tpu.memref_squeeze %dma_wait3A_64 : memref<1x128x128xf32, #tpu.memory_space<vmem>> -> memref<128x128xf32, #tpu.memory_space<vmem>>
    tpu.wait_dma2 semaphore(%arg14 : memref<!tpu.dma_semaphore, #tpu.memory_space<semaphore_mem>>) src(%dma_wait3A_65 : memref<128x128xf32, #tpu.memory_space<vmem>>) dst(%dma_wait3A_61 : memref<128x128xf32, #tpu.memory_space<hbm>>)
    %dma_wait3A_66 = arith.constant 1 : i32
    %dma_wait3A_67 = arith.constant 0 : i32
    %dma_wait3A_68 = arith.constant 0 : i32
    %dma_wait3A_69 = tpu.memref_slice %arg7[%dma_wait3A_66, %dma_wait3A_67, %dma_wait3A_68] : memref<4x128x128xf32, #tpu.memory_space<vmem>> -> memref<1x128x128xf32, #tpu.memory_space<vmem>>
    %dma_wait3A_70 = tpu.memref_squeeze %dma_wait3A_69 : memref<1x128x128xf32, #tpu.memory_space<vmem>> -> memref<128x128xf32, #tpu.memory_space<vmem>>
    %dma_wait3A_71 = arith.constant 0 : i32
    %dma_wait3A_72 = arith.constant 0 : i32
    %dma_wait3A_73 = tpu.memref_slice %arg4[%dma_wait3A_71, %dma_wait3A_72] : memref<1000000x128xf32, #tpu.memory_space<hbm>> -> memref<128x128xf32, #tpu.memory_space<hbm>>
    %dma_wait3A_74 = arith.constant 0 : i32
    %dma_wait3A_75 = arith.constant 0 : i32
    %dma_wait3A_76 = tpu.memref_slice %arg4[%dma_wait3A_74, %dma_wait3A_75] : memref<1000000x128xf32, #tpu.memory_space<hbm>> -> memref<128x128xf32, #tpu.memory_space<hbm>>
    %dma_wait3A_77 = arith.constant 0 : i32
    %dma_wait3A_78 = arith.constant 0 : i32
    %dma_wait3A_79 = tpu.memref_slice %arg7[%dma_wait3A_66, %dma_wait3A_77, %dma_wait3A_78] : memref<4x128x128xf32, #tpu.memory_space<vmem>> -> memref<1x128x128xf32, #tpu.memory_space<vmem>>
    %dma_wait3A_80 = tpu.memref_squeeze %dma_wait3A_79 : memref<1x128x128xf32, #tpu.memory_space<vmem>> -> memref<128x128xf32, #tpu.memory_space<vmem>>
    tpu.wait_dma2 semaphore(%arg15 : memref<!tpu.dma_semaphore, #tpu.memory_space<semaphore_mem>>) src(%dma_wait3A_80 : memref<128x128xf32, #tpu.memory_space<vmem>>) dst(%dma_wait3A_76 : memref<128x128xf32, #tpu.memory_space<hbm>>)
    %dma_wait3A_81 = arith.constant 2 : i32
    %dma_wait3A_82 = arith.constant 0 : i32
    %dma_wait3A_83 = arith.constant 0 : i32
    %dma_wait3A_84 = tpu.memref_slice %arg7[%dma_wait3A_81, %dma_wait3A_82, %dma_wait3A_83] : memref<4x128x128xf32, #tpu.memory_space<vmem>> -> memref<1x128x128xf32, #tpu.memory_space<vmem>>
    %dma_wait3A_85 = tpu.memref_squeeze %dma_wait3A_84 : memref<1x128x128xf32, #tpu.memory_space<vmem>> -> memref<128x128xf32, #tpu.memory_space<vmem>>
    %dma_wait3A_86 = arith.constant 0 : i32
    %dma_wait3A_87 = arith.constant 0 : i32
    %dma_wait3A_88 = tpu.memref_slice %arg4[%dma_wait3A_86, %dma_wait3A_87] : memref<1000000x128xf32, #tpu.memory_space<hbm>> -> memref<128x128xf32, #tpu.memory_space<hbm>>
    %dma_wait3A_89 = arith.constant 0 : i32
    %dma_wait3A_90 = arith.constant 0 : i32
    %dma_wait3A_91 = tpu.memref_slice %arg4[%dma_wait3A_89, %dma_wait3A_90] : memref<1000000x128xf32, #tpu.memory_space<hbm>> -> memref<128x128xf32, #tpu.memory_space<hbm>>
    %dma_wait3A_92 = arith.constant 0 : i32
    %dma_wait3A_93 = arith.constant 0 : i32
    %dma_wait3A_94 = tpu.memref_slice %arg7[%dma_wait3A_81, %dma_wait3A_92, %dma_wait3A_93] : memref<4x128x128xf32, #tpu.memory_space<vmem>> -> memref<1x128x128xf32, #tpu.memory_space<vmem>>
    %dma_wait3A_95 = tpu.memref_squeeze %dma_wait3A_94 : memref<1x128x128xf32, #tpu.memory_space<vmem>> -> memref<128x128xf32, #tpu.memory_space<vmem>>
    tpu.wait_dma2 semaphore(%arg16 : memref<!tpu.dma_semaphore, #tpu.memory_space<semaphore_mem>>) src(%dma_wait3A_95 : memref<128x128xf32, #tpu.memory_space<vmem>>) dst(%dma_wait3A_91 : memref<128x128xf32, #tpu.memory_space<hbm>>)
    %dma_wait3A_96 = arith.constant 3 : i32
    %dma_wait3A_97 = arith.constant 0 : i32
    %dma_wait3A_98 = arith.constant 0 : i32
    %dma_wait3A_99 = tpu.memref_slice %arg7[%dma_wait3A_96, %dma_wait3A_97, %dma_wait3A_98] : memref<4x128x128xf32, #tpu.memory_space<vmem>> -> memref<1x128x128xf32, #tpu.memory_space<vmem>>
    %dma_wait3A_100 = tpu.memref_squeeze %dma_wait3A_99 : memref<1x128x128xf32, #tpu.memory_space<vmem>> -> memref<128x128xf32, #tpu.memory_space<vmem>>
    %dma_wait3A_101 = arith.constant 0 : i32
    %dma_wait3A_102 = arith.constant 0 : i32
    %dma_wait3A_103 = tpu.memref_slice %arg4[%dma_wait3A_101, %dma_wait3A_102] : memref<1000000x128xf32, #tpu.memory_space<hbm>> -> memref<128x128xf32, #tpu.memory_space<hbm>>
    %dma_wait3A_104 = arith.constant 0 : i32
    %dma_wait3A_105 = arith.constant 0 : i32
    %dma_wait3A_106 = tpu.memref_slice %arg4[%dma_wait3A_104, %dma_wait3A_105] : memref<1000000x128xf32, #tpu.memory_space<hbm>> -> memref<128x128xf32, #tpu.memory_space<hbm>>
    %dma_wait3A_107 = arith.constant 0 : i32
    %dma_wait3A_108 = arith.constant 0 : i32
    %dma_wait3A_109 = tpu.memref_slice %arg7[%dma_wait3A_96, %dma_wait3A_107, %dma_wait3A_108] : memref<4x128x128xf32, #tpu.memory_space<vmem>> -> memref<1x128x128xf32, #tpu.memory_space<vmem>>
    %dma_wait3A_110 = tpu.memref_squeeze %dma_wait3A_109 : memref<1x128x128xf32, #tpu.memory_space<vmem>> -> memref<128x128xf32, #tpu.memory_space<vmem>>
    tpu.wait_dma2 semaphore(%arg17 : memref<!tpu.dma_semaphore, #tpu.memory_space<semaphore_mem>>) src(%dma_wait3A_110 : memref<128x128xf32, #tpu.memory_space<vmem>>) dst(%dma_wait3A_106 : memref<128x128xf32, #tpu.memory_space<hbm>>)
    %eq3A_111 = arith.constant 0 : i32
    %eq3A_112 = arith.cmpi eq, %add3A, %eq3A_111 : i32
    %convert_element_type3A_113 = arith.extui %eq3A_112 : i1 to i32
    %cond3A_114 = arith.constant 0 : i32
    %cond3A_115 = arith.cmpi ne, %convert_element_type3A_113, %cond3A_114 : i32
    scf.if %cond3A_115 {
      "tpu.region"() ({
        %run_scoped3A = tpu.sem_alloc : memref<!tpu.dma_semaphore, #tpu.memory_space<semaphore_mem>>
        %dma_start3A_122 = arith.constant 999936 : i32
        %dma_start3A_123 = tpu.memref_slice %arg3[%dma_start3A_122] : memref<1000000xi32, #tpu.memory_space<hbm>> -> memref<64xi32, #tpu.memory_space<hbm>>
        %dma_start3A_124 = arith.constant 999936 : i32
        %dma_start3A_125 = tpu.memref_slice %arg3[%dma_start3A_124] : memref<1000000xi32, #tpu.memory_space<hbm>> -> memref<64xi32, #tpu.memory_space<hbm>>
        tpu.enqueue_dma source(%dma_start3A_125 : memref<64xi32, #tpu.memory_space<hbm>>) target(%arg8 : memref<64xi32, #tpu.memory_space<vmem>>) target_semaphore(%run_scoped3A : memref<!tpu.dma_semaphore, #tpu.memory_space<semaphore_mem>>)
        %dma_wait3A_126 = arith.constant 999936 : i32
        %dma_wait3A_127 = tpu.memref_slice %arg3[%dma_wait3A_126] : memref<1000000xi32, #tpu.memory_space<hbm>> -> memref<64xi32, #tpu.memory_space<hbm>>
        %dma_wait3A_128 = arith.constant 999936 : i32
        %dma_wait3A_129 = tpu.memref_slice %arg3[%dma_wait3A_128] : memref<1000000xi32, #tpu.memory_space<hbm>> -> memref<64xi32, #tpu.memory_space<hbm>>
        tpu.wait_dma2 semaphore(%run_scoped3A : memref<!tpu.dma_semaphore, #tpu.memory_space<semaphore_mem>>) src(%dma_wait3A_129 : memref<64xi32, #tpu.memory_space<hbm>>) dst(%arg8 : memref<64xi32, #tpu.memory_space<vmem>>)
        tpu.yield
      }) : () -> ()
      %dma_start3A_116 = arith.constant 0 : i32
      %dma_start3A_117 = arith.constant 0 : i32
      %dma_start3A_118 = tpu.memref_slice %arg5[%dma_start3A_116, %dma_start3A_117] : memref<324x128xf32, #tpu.memory_space<vmem_shared>> -> memref<324x128xf32, #tpu.memory_space<vmem_shared>>
      tpu.enqueue_indirect_dma source(%dma_start3A_118 : memref<324x128xf32, #tpu.memory_space<vmem_shared>>) target(%arg9 : memref<64x128xf32, #tpu.memory_space<vmem>>) offsets(%arg8 : memref<64xi32, #tpu.memory_space<vmem>>) semaphore(%arg10 : memref<!tpu.dma_semaphore, #tpu.memory_space<semaphore_mem>>)
      %dma_wait3A_119 = arith.constant 0 : i32
      %dma_wait3A_120 = arith.constant 0 : i32
      %dma_wait3A_121 = tpu.memref_slice %arg5[%dma_wait3A_119, %dma_wait3A_120] : memref<324x128xf32, #tpu.memory_space<vmem_shared>> -> memref<324x128xf32, #tpu.memory_space<vmem_shared>>
      tpu.wait_indirect_dma semaphore(%arg10 : memref<!tpu.dma_semaphore, #tpu.memory_space<semaphore_mem>>) src(%dma_wait3A_121 : memref<324x128xf32, #tpu.memory_space<vmem_shared>>) dst(%arg9 : memref<64x128xf32, #tpu.memory_space<vmem>>)
      "tpu.region"() ({
        %run_scoped3A = tpu.sem_alloc : memref<!tpu.dma_semaphore, #tpu.memory_space<semaphore_mem>>
        %dma_start3A_122 = arith.constant 999936 : i32
        %dma_start3A_123 = arith.constant 0 : i32
        %dma_start3A_124 = tpu.memref_slice %arg4[%dma_start3A_122, %dma_start3A_123] : memref<1000000x128xf32, #tpu.memory_space<hbm>> -> memref<64x128xf32, #tpu.memory_space<hbm>>
        %dma_start3A_125 = arith.constant 999936 : i32
        %dma_start3A_126 = arith.constant 0 : i32
        %dma_start3A_127 = tpu.memref_slice %arg4[%dma_start3A_125, %dma_start3A_126] : memref<1000000x128xf32, #tpu.memory_space<hbm>> -> memref<64x128xf32, #tpu.memory_space<hbm>>
        tpu.enqueue_dma source(%arg9 : memref<64x128xf32, #tpu.memory_space<vmem>>) target(%dma_start3A_127 : memref<64x128xf32, #tpu.memory_space<hbm>>) target_semaphore(%run_scoped3A : memref<!tpu.dma_semaphore, #tpu.memory_space<semaphore_mem>>)
        %dma_wait3A_128 = arith.constant 999936 : i32
        %dma_wait3A_129 = arith.constant 0 : i32
        %dma_wait3A_130 = tpu.memref_slice %arg4[%dma_wait3A_128, %dma_wait3A_129] : memref<1000000x128xf32, #tpu.memory_space<hbm>> -> memref<64x128xf32, #tpu.memory_space<hbm>>
        %dma_wait3A_131 = arith.constant 999936 : i32
        %dma_wait3A_132 = arith.constant 0 : i32
        %dma_wait3A_133 = tpu.memref_slice %arg4[%dma_wait3A_131, %dma_wait3A_132] : memref<1000000x128xf32, #tpu.memory_space<hbm>> -> memref<64x128xf32, #tpu.memory_space<hbm>>
        tpu.wait_dma2 semaphore(%run_scoped3A : memref<!tpu.dma_semaphore, #tpu.memory_space<semaphore_mem>>) src(%arg9 : memref<64x128xf32, #tpu.memory_space<vmem>>) dst(%dma_wait3A_133 : memref<64x128xf32, #tpu.memory_space<hbm>>)
        tpu.yield
      }) : () -> ()
    } else {
    }
    return
  }
}

</mosaic_0001>

<sc_bundles>
// kernel: kernel.3.cloned.1.call-start
scs
__scs_entry_jumppad:
0x0: {  	(pc) =	sbr.rel $0x88, $3  }
0x1: {  	(tag) =	ssettag $0x0;
	lr =	simm.s32 $0x1  }
0x2: {  	[smem:$0x3F9F] =	sst lr;
	_ =	strace $0xD0000000  }
0x3: {  	_ = 	snop  }
0x4: {  	_ = 	snop  }
0x5: {  	_ = 	snop  }
0x6: {  	_ = 	snop  }
0x7: {  	_ = 	snop  }
__scs_overlays_trampoline_lowered:
0x8: {  	[smem:$0x3FAE] =	sst s0  }
0x9: {  	[smem:$0x3FAF] =	sst s1  }
0xa: {  	[smem:$0x3FB0] =	sst s2  }
0xb: {  	[smem:$0x3FB1] =	sst s3  }
0xc: {  	[smem:$0x3FB2] =	sst s4  }
0xd: {  	[smem:$0x3FB3] =	sst s5  }
0xe: {  	[smem:$0x3FB4] =	sst s6  }
0xf: {  	[smem:$0x3FB5] =	sst s7  }
0x10: {  	[smem:$0x3FB6] =	sst s8  }
0x11: {  	[smem:$0x3FB7] =	sst s9;
	s0 =	simm.s32 @!p0 $0x0  }
0x12: {  	s1 =	sld [smem:$0x3F9D];
	s0 =	simm.s32 @p0 $0x1  }
0x13: {  	[smem:$0x3FB8] =	sst s0;
	s0 =	simm.s32 @!p1 $0x0  }
0x14: {  	s2 =	sld [smem:$0x3F9C];
	s0 =	simm.s32 @p1 $0x1  }
0x15: {  	[smem:$0x3FB9] =	sst s0;
	s0 =	simm.s32 @!p2 $0x0  }
0x16: {  	s3 =	sld [smem:$0x3FDB];
	s0 =	simm.s32 @p2 $0x1  }
0x17: {  	s4 =	simm.s32 $0x1BF5;
	[smem:$0x3FBB] =	sst s0  }
0x18: {  	s0 =	sld [smem:$0x3F9E];
	_ =	swait.ge [sflag:s4], $0x0  }
0x19: {  	s7 =	sld [smem:$0x3F9F]  }
0x1a: {  	s8 =	sadd.s32 $0xFFFFE003, lr  }
0x1b: {  	s9 =	sadd.s32 $0xFFFFFEF7, lr;
	s5 =	simm.s32 $0xFFFFFFFF;
	p2 =	slt.u32 s8, $0xFFFFF086  }
0x1c: {  	p1 =	slt.u32 s9, $0xF7A;
	s5 =	simm.s32 @!p2 $0x0  }
0x1d: {  	s5 =	simm.s32 @p1 $0x1;
	p0 =	seq.s32 s7, s2  }
0x1e: {  	s7 =	smul.u32 @!p0 $0xF7A, s2;
	p2 =	seq.s32 @!p0 s5, $0x0  }
0x1f: {  	s9 =	smul.u32 $0xF7A, s1;
	s8 =	simm.s32 @!p0 $0x1BF5;
	p2 =	por !p2, p0  }
0x20: {  	[sflag:s8] =	ssyncset.s32 @!p0 $0xFFFFF086;
	s6 =	sadd.s32 @!p0 s3, s7;
	s7 =	simm.s32 @!p0 $0x108  }
0x21: {  	s3 =	sadd.s32 s3, s9;
	s6 =	sadd.s32 @!p0 $0x88, s6;
	s7 =	simm.s32 @p2 $0x1082  }
0x22: {  	[simem:s7], [sflag:s8] =	dma.local @!p0 [hbm:s6], $0xF7A  }
0x23: {  	s9 =	sor.u32 $0xD0000000, s2;
	s6 =	simm.s32 $0x108;
	_ =	swait.ge @!p0 [sflag:s8], $0x0  }
0x24: {  	s3 =	sadd.s32 $0x88, s3;
	s6 =	simm.s32 @!p1 $0x1082;
	[sflag:s4] =	ssyncset.s32 $0xFFFFF086  }
0x25: {  	[simem:s6], [sflag:s4] =	dma.local [hbm:s3], $0xF7A  }
0x26: {  	[smem:$0x3F9F] =	sst s1;
	(tag) =	ssettag s2;
	_ =	strace s9  }
0x27: {  	s1 =	sld [smem:$0x3FAF]  }
0x28: {  	s2 =	sld [smem:$0x3FB0]  }
0x29: {  	s4 =	sld [smem:$0x3FB2]  }
0x2a: {  	p0 =	seq.s32 s5, $0x0;
	s5 =	sld [smem:$0x3FB3]  }
0x2b: {  	s6 =	sld [smem:$0x3FB4]  }
0x2c: {  	s7 =	sld [smem:$0x3FB5]  }
0x2d: {  	s3 =	simm.s32 $0x108;
	s8 =	sld [smem:$0x3FB6]  }
0x2e: {  	s3 =	simm.s32 @!p0 $0x1082;
	s9 =	sld [smem:$0x3FB7]  }
0x2f: {  	lr =	sadd.s32 s0, s3;
	s0 =	sld [smem:$0x3FAE]  }
0x30: {  	s3 =	sld [smem:$0x3FB1]  }
0x31: {  	[smem:$0x3FBA] =	sst s10  }
0x32: {  	s10 =	sld [smem:$0x3FB8];
	_ =	sdelay $0x3  }
0x33: {  	p0 =	seq.s32 s10, $0x1;
	s10 =	sld [smem:$0x3FBA];
	_ =	sdelay $0x3  }
0x34: {  	[smem:$0x3FBA] =	sst s10  }
0x35: {  	s10 =	sld [smem:$0x3FB9];
	_ =	sdelay $0x3  }
0x36: {  	p1 =	seq.s32 s10, $0x1;
	s10 =	sld [smem:$0x3FBA];
	_ =	sdelay $0x3  }
0x37: {  	[smem:$0x3FBA] =	sst s10  }
0x38: {  	s10 =	sld [smem:$0x3FBB]  }
0x39: {  	_ = 	snop;
	(pc) =	sbr.ind lr, $3  }
0x3a: {  	_ = 	snop  }
0x3b: {  	_ = 	snop  }
0x3c: {  	p2 =	seq.s32 s10, $0x1;
	s10 =	sld [smem:$0x3FBA]  }
0x3d: {  	_ =	shalt  }
0x3e: {  	_ =	shalt  }
0x3f: {  	_ =	shalt  }
0x40: {  	_ =	shalt  }
0x41: {  	_ =	shalt  }
0x42: {  	_ =	shalt  }
0x43: {  	_ =	shalt  }
0x44: {  	_ =	shalt  }
0x45: {  	_ =	shalt  }
0x46: {  	_ =	shalt  }
0x47: {  	_ =	shalt  }
0x48: {  	_ =	shalt  }
0x49: {  	_ =	shalt  }
0x4a: {  	_ =	shalt  }
0x4b: {  	_ =	shalt  }
0x4c: {  	_ =	shalt  }
0x4d: {  	_ =	shalt  }
0x4e: {  	_ =	shalt  }
0x4f: {  	_ =	shalt  }
0x50: {  	_ =	shalt  }
0x51: {  	_ =	shalt  }
0x52: {  	_ =	shalt  }
0x53: {  	_ =	shalt  }
0x54: {  	_ =	shalt  }
0x55: {  	_ =	shalt  }
0x56: {  	_ =	shalt  }
0x57: {  	_ =	shalt  }
0x58: {  	_ =	shalt  }
0x59: {  	_ =	shalt  }
0x5a: {  	_ =	shalt  }
0x5b: {  	_ =	shalt  }
0x5c: {  	_ =	shalt  }
0x5d: {  	_ =	shalt  }
0x5e: {  	_ =	shalt  }
0x5f: {  	_ =	shalt  }
0x60: {  	_ =	shalt  }
0x61: {  	_ =	shalt  }
0x62: {  	_ =	shalt  }
0x63: {  	_ =	shalt  }
0x64: {  	_ =	shalt  }
0x65: {  	_ =	shalt  }
0x66: {  	_ =	shalt  }
0x67: {  	_ =	shalt  }
0x68: {  	_ =	shalt  }
0x69: {  	_ =	shalt  }
0x6a: {  	_ =	shalt  }
0x6b: {  	_ =	shalt  }
0x6c: {  	_ =	shalt  }
0x6d: {  	_ =	shalt  }
0x6e: {  	_ =	shalt  }
0x6f: {  	_ =	shalt  }
0x70: {  	_ =	shalt  }
0x71: {  	_ =	shalt  }
0x72: {  	_ =	shalt  }
0x73: {  	_ =	shalt  }
0x74: {  	_ =	shalt  }
0x75: {  	_ =	shalt  }
0x76: {  	_ =	shalt  }
0x77: {  	_ =	shalt  }
0x78: {  	_ =	shalt  }
0x79: {  	_ =	shalt  }
0x7a: {  	_ =	shalt  }
0x7b: {  	_ =	shalt  }
0x7c: {  	_ =	shalt  }
0x7d: {  	_ =	shalt  }
0x7e: {  	_ =	shalt  }
0x7f: {  	_ =	shalt  }
0x80: {  	_ =	shalt  }
0x81: {  	_ =	shalt  }
0x82: {  	_ =	shalt  }
0x83: {  	_ =	shalt  }
0x84: {  	_ =	shalt  }
0x85: {  	_ =	shalt  }
0x86: {  	_ =	shalt  }
0x87: {  	_ =	shalt  }
.Lfunc_end0:
.L_simem_size_0:
called_computation_lowered:
.L_overlay_start_0:
0x88: {  	s2 =	sld [smem:$0x3FD9]  }
0x89: {  	s3 =	sld [smem:$0x3FFE];
	_ =	sdelay $0x1  }
0x8a: {  	s1 =	srdreg.scid  }
0x8b: {  	s0 =	sand.u32 $0x1, s1  }
0x8c: {  	s18 =	sshll.u32 s0, $0xA;
	s2 =	sadd.s32 s3, s2  }
0x8d: {  	s2 =	sadd.s32 s2, s18  }
0x8e: {  	[smem:$0x3FC6] =	sst s2  }
0x8f: {  	_ = 	snop  }
0x90: {  	s2 =	sld [smem:$0x3FC9]  }
0x91: {  	s19 =	sld [smem:$0x3FC8]  }
0x92: {  	s4 =	sld [smem:$0x3FD0];
	(tm) =	ssettm $0x1  }
0x93: {  	s5 =	sld [smem:$0x3FFB];
	_ =	sdelay $0x3  }
0x94: {  	_ =	strace s5  }
0x95: {  	s5 =	sld [smem:$0x3FFC];
	_ =	sdelay $0x3  }
0x96: {  	_ =	strace s5  }
0x97: {  	s5 =	sld [smem:$0x3FFD];
	_ =	sdelay $0x3  }
0x98: {  	_ =	strace s5  }
0x99: {  	_ =	strace $0x8FFFFFFF  }
0x9a: {  	s20 =	sld [smem:$0x3FDB];
	_ =	sdelay $0x1  }
0x9b: {  	s6 =	simm.s32 $_scs_section_size  }
0x9c: {  	s7 =	simm.s32 $_size__tile_overlayer_lowered;
	s8 =	simm.s32 $_tile_overlayer_lowered  }
0x9d: {  	s23 =	simm.s32 $0x1BFF;
	s22 =	sshll.u32 s8, $0x1;
	s5 =	sadd.s32 s6, s20  }
0x9e: {  	s9 =	simm.s32 $0x0;
	s21 =	sshll.u32 s7, $0x1;
	s7 =	sadd.s32 s22, s5  }
0x9f: {  	[timem:s9], [sflag:s23] =	dma.local [hbm:s7], s21  }
0xa0: {  	_ =	swait.ge [sflag:s23], s21  }
0xa1: {  	s6 =	ssub.s32 $0x0, s21;
	[sflag:s23] =	ssyncset.done $0x0  }
0xa2: {  	[sflag:s23] =	ssyncadd.s32 s6;
	_ =	sdelay $0x1  }
0xa3: {  	s24 =	simm.s32 $0x1B8B  }
0xa4: {  	_ =	swait.ge [sflag:s24], $0x1  }
0xa5: {  	[sflag:s24] =	ssyncset.done $0x0  }
0xa6: {  	s25 =	simm.s32 $0x1B8E;
	[sflag:s24] =	ssyncadd.s32 $0xFFFFFFFF  }
0xa7: {  	s26 =	simm.s32 $execute0_lowered;
	[smem:$0x3FD2] =	sst s25  }
0xa8: {  	s6 =	sshll.u32 s26, $0x1;
	_ =	strace $0x80000046;
	[dreg:$0x1] =	wrdreg $0xFFFFFFFF  }
0xa9: {  	s28 =	simm.s32 $_size_execute0_lowered;
	s5 =	sadd.s32 s5, s6;
	[dreg:$0x0] =	wrdreg $0x0  }
0xaa: {  	s6 =	sshll.u32 s28, $0x1;
	[dreg:$0x2] =	wrdreg s5  }
0xab: {  	[dreg:$0x3] =	wrdreg s6  }
0xac: {  	[dreg:$0x4] =	wrdreg $0xC0  }
0xad: {  	_ =	task [dreg:s9], $0x5FFFF  }
0xae: {  	[dreg:$0x1] =	wrdreg $0xFFFFFFFF  }
0xaf: {  	[dreg:$0x0] =	wrdreg $0x60  }
0xb0: {  	[dreg:$0x2] =	wrdreg s19  }
0xb1: {  	[dreg:$0x3] =	wrdreg s2  }
0xb2: {  	[dreg:$0x4] =	wrdreg s4  }
0xb3: {  	[dreg:$0x5] =	wrdreg $0x0  }
0xb4: {  	[dreg:$0x6] =	wrdreg $0x9  }
0xb5: {  	_ =	task.clear_ibuf [dreg:s9], $0x7FFFF;
	_ =	strace $0x90000046  }
0xb6: {  	s29 =	simm.s32 $0x9;
	_ =	strace $0x80000048  }
0xb7: {  	_ =	swait.ge [sflag:s29], $0x1  }
0xb8: {  	[sflag:s29] =	ssyncadd.s32 $0xFFFFFFFF  }
0xb9: {  	_ =	strace $0x90000048  }
0xba: {  	_ =	sfence  }
0xbb: {  	s30 =	sld [smem:$0x0];
	_ =	sdelay $0x2  }
0xbc: {  	s31 =	sshll.u32 s1, $0xD;
	s1 =	sshrl.u32 s1, $0x2  }
0xbd: {  	s3 =	sand.u32 $0x4000, s31;
	s1 =	sadd.s32 s1, s30  }
0xbe: {  	s0 =	sor.u32 s3, s0;
	s1 =	sshll.u32 s1, $0x11  }
0xbf: {  	s0 =	sor.u32 s1, s0  }
0xc0: {  	s0 =	sadd.s32 $0x8F2B, s0  }
0xc1: {  	[sflag:s0] =	ssyncadd.remote.s32 $0x1  }
0xc2: {  	_ =	sfence.sel $0xFFFF  }
0xc3: {  	[dreg:$0x0] =	wrdreg $0xFFFFFFFF;
	(pc) =	sbr.abs _section_cstart, $3  }
0xc4: {  	[dreg:$0x1] =	wrdreg $0xFFFFFFFF  }
0xc5: {  	_ =	task.clear_ibuf [dreg:s9], $0x2FFFF;
	_ =	strace $0x9FFFFFFF  }
0xc6: {  	(tm) =	ssettm $0x7FFFFFFF  }
0xc7: {  	_ =	shalt  }
tec
execute0_lowered:
.L_overlay_start_1:
0x0: {  	(tag) =	ssettag $0x1  }
0x1: {  	s0 =	rddreg [dreg:$0x1];
	s1 =	srdreg.scid  }
0x2: {  	s13 =	stileid.u32;
	s9 =	rddreg [dreg:$0x2]  }
0x3: {  	s2 =	rddreg [dreg:$0x3];
	s14 =	simm.s32 $0x84A0;
	s16 =	simm.s32 $0xC4A0  }
0x4: {  	s17 =	simm.s32 $0x104A0;
	s18 =	simm.s32 $0x1;
	s19 =	simm.s32 $0x144A0  }
0x5: {  	s20 =	simm.s32 $0x2;
	s21 =	simm.s32 $0x3;
	s22 =	simm.s32 $0x4  }
0x6: {  	s28 =	simm.s32 $0x0;
	s1 =	sand.u32 $0x1, s1;
	s3 =	sshll.u32 s13, $0x1  }
0x7: {  	s6 =	smul.u32 $0x1E8, s13;
	p0 =	slt.u32 s13, $0x2;
	s15 =	sor.u32 s1, s3  }
0x8: {  	s3 =	simm.s32 $0x0;
	s5 =	ssub.s32 $0x2, s1;
	s1 =	smul.u32 $0xF4, s1  }
0x9: {  	p2 =	sgt.u32 s13, $0x1;
	s4 =	smul.u32 $0xF4, s15;
	[smem:$0x7FF] =	sst s3  }
0xa: {  	s7 =	sshrl.u32 s5, $0x1;
	s8 =	smin.u32 s15, $0x4;
	p3 =	sne.s32 s15, $0x0  }
0xb: {  	_ =	strace $0x80000047;
	s10 =	ssub.s32 s5, s7;
	s1 =	sadd.s32 s1, s6  }
0xc: {  	s12 =	sadd.s32 s8, s4;
	s4 =	simm.s32 $0xF5;
	s1 =	sadd.s32 s8, s1  }
0xd: {  	s10 =	smax.u32 s10, $0x1;
	s4 =	simm.s32 @!p0 $0xF4;
	s23 =	sshll.u32 s12, $0xB  }
0xe: {  	s24 =	sshll.u32 s12, $0x4;
	s1 =	sshll.u32 s1, $0xB;
	p0 =	sne.s32 s13, $0x0  }
0xf: {  	p1 =	sgt.u32 s12, $0x1D8F;
	s12 =	simm.s32 $0x80;
	s25 =	sadd.s32 s23, s9  }
0x10: {  	s5 =	sadd.s32 s0, s24;
	s7 =	sadd.s32 s1, s9;
	s0 =	sadd.s32 $0x1E840, s0  }
0x11: {  	s9 =	sadd.s32 $0xF42000, s9;
	s26 =	sadd.s32 $0x7A000, s25;
	[dreg:$0x9] =	wrdreg s0  }
0x12: {  	s11 =	sshrl.u32 @!p0 s2, $0x3;
	s29 =	sadd.s32 $0x800, s7;
	[dreg:$0x8] =	wrdreg s26  }
0x13: {  	s23 =	simm.s32 $0x5;
	s30 =	sadd.s32 $0x1800, s7;
	[dreg:$0x5] =	wrdreg s29  }
0x14: {  	s24 =	simm.s32 $0x6;
	s31 =	sadd.s32 $0x1000, s7;
	[dreg:$0x7] =	wrdreg s30  }
0x15: {  	s25 =	simm.s32 $0x7;
	[dreg:$0x6] =	wrdreg s31;
	s26 =	simm.s32 $0x8  }
.LBB2_1:
0x16: {  	s0 =	simm.s32 @!p0 $0x1C09;
	s1 =	rddreg [dreg:$0x0]  }
0x17: {  	[spmem:s11], [sflag:s0] =	dma.local @!p0 [hbm:s1], $0x1440  }
0x18: {  	s0 =	simm.s32 @!p0 $0x9  }
0x19: {  	_ =	swait.ge @!p0 [sflag:s0], $0x1440  }
0x1a: {  	[sflag:s0] =	ssyncset.done @!p0 $0x0  }
0x1b: {  	[sflag:s0] =	ssyncadd.s32 @!p0 $0xFFFFEBC0  }
0x1c: {  	s1 =	simm.s32 @p1 $0xA20;
	s0 =	simm.s32 @p1 $0x0;
	[bflag:$0x0] =	sbarrier.arrive $0xFFFF  }
0x1d: {  	[tilespmem:s1], [sflag:$0x9] =	stream.linear.gather @p1 [hbm4b:s5+s0], $0x7A00, $0x38;
	[tilespmem:$0x1A520] =	vst v63  }
0x1e: {  	s0 =	simm.s32 @p1 $0x9  }
0x1f: {  	_ =	swait.ge @p1 [sflag:s0], $0x7A00  }
0x20: {  	[sflag:s0] =	ssyncset.done @p1 $0x0  }
0x21: {  	s1 =	simm.s32 @!p1 $0xA20;
	[sflag:s0] =	ssyncadd.s32 @p1 $0xFFFF8600;
	s0 =	simm.s32 @!p1 $0x0  }
0x22: {  	[tilespmem:s1], [sflag:$0x9] =	stream.linear.gather @!p1 [hbm4b:s5+s0], $0x7A80, $0x38;
	[tilespmem:$0x1A520] =	vst v63  }
0x23: {  	s0 =	simm.s32 @!p1 $0x9  }
0x24: {  	_ =	swait.ge @!p1 [sflag:s0], $0x7A80  }
0x25: {  	p4 =	por $0x1, $0x1;
	[sflag:s0] =	ssyncset.done @!p1 $0x0  }
0x26: {  	s13 =	simm.s32 $0xA20;
	p4 =	por p4, p4;
	[sflag:s0] =	ssyncadd.s32 @!p1 $0xFFFF8580  }
0x27: {  	[tilespmem:s14], [sflag:$0x1] =	stream.indirect.gather [spmem:s2], $0x80, s13, s12, $0xb8;
	[tilespmem:$0x1A520] =	vst v63  }
0x28: {  	s15 =	simm.s32 $0xAA0;
	s0 =	simm.s32 @!p4 $0x7  }
0x29: {  	[tilespmem:s16], [sflag:$0x2] =	stream.indirect.gather [spmem:s2], $0x80, s15, s12, $0xb8;
	[tilespmem:$0x1A520] =	vst v63  }
0x2a: {  	_ =	swait.ge @!p4 [sflag:s0], $0x4000  }
0x2b: {  	[sflag:s0] =	ssyncset.done @!p4 $0x0  }
0x2c: {  	s1 =	simm.s32 $0xB20;
	[sflag:s0] =	ssyncadd.s32 @!p4 $0xFFFFC000  }
0x2d: {  	[tilespmem:s17], [sflag:$0x3] =	stream.indirect.gather [spmem:s2], $0x80, s1, s12, $0xb8;
	[tilespmem:$0x1A520] =	vst v63  }
0x2e: {  	_ =	swait.ge [sflag:s18], $0x4000  }
0x2f: {  	[sflag:s18] =	ssyncset.done $0x0  }
0x30: {  	s6 =	sadd.s32 $0x0, s7;
	s1 =	simm.s32 @!p4 $0x8;
	[sflag:s18] =	ssyncadd.s32 $0xFFFFC000  }
0x31: {  	[hbm4b:s6+s3] =	stream.linear.scatter [tilespmem:s14], [sflag:$0x5], $0x4000, $0x38;
	[tilespmem:$0x1A520] =	vst v63  }
0x32: {  	_ =	swait.ge @!p4 [sflag:s1], $0x4000  }
0x33: {  	[sflag:s1] =	ssyncset.done @!p4 $0x0  }
0x34: {  	s8 =	simm.s32 $0xBA0;
	[sflag:s1] =	ssyncadd.s32 @!p4 $0xFFFFC000  }
0x35: {  	[tilespmem:s19], [sflag:$0x4] =	stream.indirect.gather [spmem:s2], $0x80, s8, s12, $0xb8;
	[tilespmem:$0x1A520] =	vst v63  }
0x36: {  	_ =	swait.ge [sflag:s20], $0x4000  }
0x37: {  	s13 =	rddreg [dreg:$0x5];
	[sflag:s20] =	ssyncset.done $0x0  }
0x38: {  	p4 =	sle.u32 s4, $0x4;
	[sflag:s20] =	ssyncadd.s32 $0xFFFFC000;
	s0 =	sadd.s32 $0x0, s13  }
0x39: {  	[hbm4b:s0+s3] =	stream.linear.scatter [tilespmem:s16], [sflag:$0x6], $0x4000, $0x38;
	[tilespmem:$0x1A520] =	vst v63  }
0x3a: {  	s0 =	simm.s32 @!p4 $0x5  }
0x3b: {  	_ =	swait.ge @!p4 [sflag:s0], $0x4000  }
0x3c: {  	s1 =	simm.s32 @!p4 $0x84A0;
	[sflag:s0] =	ssyncset.done @!p4 $0x0  }
0x3d: {  	s15 =	simm.s32 @!p4 $0x80;
	s13 =	simm.s32 @!p4 $0xC20;
	[sflag:s0] =	ssyncadd.s32 @!p4 $0xFFFFC000  }
0x3e: {  	[tilespmem:s1], [sflag:$0x1] =	stream.indirect.gather @!p4 [spmem:s2], $0x80, s13, s15, $0xb8;
	[tilespmem:$0x1A520] =	vst v63  }
0x3f: {  	_ =	swait.ge [sflag:s21], $0x4000  }
0x40: {  	p4 =	sle.u32 s4, $0x5;
	s15 =	rddreg [dreg:$0x6];
	[sflag:s21] =	ssyncset.done $0x0  }
0x41: {  	s1 =	simm.s32 @!p4 $0x6;
	[sflag:s21] =	ssyncadd.s32 $0xFFFFC000;
	s0 =	sadd.s32 $0x0, s15  }
0x42: {  	[hbm4b:s0+s3] =	stream.linear.scatter [tilespmem:s17], [sflag:$0x7], $0x4000, $0x38;
	[tilespmem:$0x1A520] =	vst v63  }
0x43: {  	s29 =	simm.s32 $0x2000;
	p6 =	por $0x0, $0x0;
	_ =	swait.ge @!p4 [sflag:s1], $0x4000  }
0x44: {  	s30 =	simm.s32 $0xDA0;
	s13 =	simm.s32 @!p4 $0xCA0;
	[sflag:s1] =	ssyncset.done @!p4 $0x0  }
0x45: {  	s15 =	simm.s32 @!p4 $0x80;
	s0 =	simm.s32 @!p4 $0xC4A0;
	[sflag:s1] =	ssyncadd.s32 @!p4 $0xFFFFC000  }
0x46: {  	[tilespmem:s0], [sflag:$0x2] =	stream.indirect.gather @!p4 [spmem:s2], $0x80, s13, s15, $0xb8;
	[tilespmem:$0x1A520] =	vst v63  }
0x47: {  	s31 =	simm.s32 $0x9;
	s1 =	simm.s32 $0x4000;
	_ =	swait.ge [sflag:s22], $0x4000  }
0x48: {  	p4 =	por p6, p6;
	s0 =	simm.s32 $0x0;
	[sflag:s22] =	ssyncset.done $0x0  }
0x49: {  	s13 =	simm.s32 @!p4 $0x7;
	s15 =	rddreg [dreg:$0x7];
	[sflag:s22] =	ssyncadd.s32 $0xFFFFC000  }
.LBB2_2:
0x4a: {  	s15 =	sadd.s32 s0, s15  }
0x4b: {  	[hbm4b:s15+s3] =	stream.linear.scatter [tilespmem:s19], [sflag:$0x8], $0x4000, $0x38;
	[tilespmem:$0x1A520] =	vst v63  }
0x4c: {  	_ =	swait.ge @!p4 [sflag:s13], $0x4000  }
0x4d: {  	[sflag:s13] =	ssyncset.done @!p4 $0x0  }
0x4e: {  	s6 =	sadd.s32 $0xFFFFFF80, s30;
	[sflag:s13] =	ssyncadd.s32 @!p4 $0xFFFFC000  }
0x4f: {  	[tilespmem:s17], [sflag:$0x3] =	stream.indirect.gather [spmem:s2], $0x80, s6, s12, $0xb8;
	[tilespmem:$0x1A520] =	vst v63  }
0x50: {  	_ =	swait.ge [sflag:s18], $0x4000  }
0x51: {  	s0 =	smov.u32 s29;
	[sflag:s18] =	ssyncset.done $0x0  }
0x52: {  	s8 =	sadd.s32 s0, s7;
	s15 =	simm.s32 @!p4 $0x8;
	[sflag:s18] =	ssyncadd.s32 $0xFFFFC000  }
0x53: {  	[hbm4b:s8+s3] =	stream.linear.scatter [tilespmem:s14], [sflag:$0x5], $0x4000, $0x38;
	[tilespmem:$0x1A520] =	vst v63  }
0x54: {  	_ =	swait.ge @!p4 [sflag:s15], $0x4000  }
0x55: {  	[sflag:s15] =	ssyncset.done @!p4 $0x0  }
0x56: {  	[sflag:s15] =	ssyncadd.s32 @!p4 $0xFFFFC000  }
0x57: {  	[tilespmem:s19], [sflag:$0x4] =	stream.indirect.gather [spmem:s2], $0x80, s30, s12, $0xb8;
	[tilespmem:$0x1A520] =	vst v63  }
0x58: {  	p6 =	seq.s32 s1, $0x0;
	s8 =	sadd.s32 $0xFFFFFFFF, s31;
	_ =	swait.ge [sflag:s20], $0x4000  }
0x59: {  	p4 =	por p6, p6;
	s6 =	rddreg [dreg:$0x5];
	[sflag:s20] =	ssyncset.done $0x0  }
0x5a: {  	p6 =	sge.u32 s8, s4;
	[sflag:s20] =	ssyncadd.s32 $0xFFFFC000;
	s13 =	sadd.s32 s0, s6  }
0x5b: {  	[hbm4b:s13+s3] =	stream.linear.scatter [tilespmem:s16], [sflag:$0x6], $0x4000, $0x38;
	[tilespmem:$0x1A520] =	vst v63  }
0x5c: {  	s13 =	simm.s32 @!p6 $0x5  }
0x5d: {  	_ =	swait.ge @!p6 [sflag:s13], $0x4000  }
0x5e: {  	s15 =	simm.s32 @!p6 $0x84A0;
	[sflag:s13] =	ssyncset.done @!p6 $0x0  }
0x5f: {  	s8 =	simm.s32 @!p6 $0x80;
	s6 =	sadd.s32 @!p6 $0x80, s30;
	[sflag:s13] =	ssyncadd.s32 @!p6 $0xFFFFC000  }
0x60: {  	[tilespmem:s15], [sflag:$0x1] =	stream.indirect.gather @!p6 [spmem:s2], $0x80, s6, s8, $0xb8;
	[tilespmem:$0x1A520] =	vst v63  }
0x61: {  	s29 =	smov.u32 s1;
	s1 =	sadd.s32 $0x2000, s1;
	_ =	swait.ge [sflag:s21], $0x4000  }
0x62: {  	p6 =	sge.u32 s31, s4;
	s15 =	rddreg [dreg:$0x6];
	[sflag:s21] =	ssyncset.done $0x0  }
0x63: {  	s8 =	simm.s32 @!p6 $0x6;
	[sflag:s21] =	ssyncadd.s32 $0xFFFFC000;
	s6 =	sadd.s32 s0, s15  }
0x64: {  	[hbm4b:s6+s3] =	stream.linear.scatter [tilespmem:s17], [sflag:$0x7], $0x4000, $0x38;
	[tilespmem:$0x1A520] =	vst v63  }
0x65: {  	p5 =	sne.s32 s1, $0x7A000;
	_ =	swait.ge @!p6 [sflag:s8], $0x4000  }
0x66: {  	s13 =	sadd.s32 @!p6 $0x100, s30;
	s15 =	simm.s32 @!p6 $0x80;
	[sflag:s8] =	ssyncset.done @!p6 $0x0  }
.Ltmp0:
0x67: {  	s6 =	simm.s32 @!p6 $0xC4A0;
	[sflag:s8] =	ssyncadd.s32 @!p6 $0xFFFFC000;
	(pc) =	sbr.rel @p5 .LBB2_2-.Ltmp0, $4  }
0x68: {  	[tilespmem:s6], [sflag:$0x2] =	stream.indirect.gather @!p6 [spmem:s2], $0x80, s13, s15, $0xb8;
	[tilespmem:$0x1A520] =	vst v63  }
0x69: {  	_ =	swait.ge [sflag:s22], $0x4000  }
0x6a: {  	s31 =	sadd.s32 $0x4, s31;
	s30 =	sadd.s32 $0x200, s30;
	[sflag:s22] =	ssyncset.done $0x0  }
0x6b: {  	s13 =	simm.s32 @!p4 $0x7;
	s15 =	rddreg [dreg:$0x7];
	[sflag:s22] =	ssyncadd.s32 $0xFFFFC000  }
0x6c: {  	s0 =	sadd.s32 s0, s15  }
0x6d: {  	[hbm4b:s0+s3] =	stream.linear.scatter [tilespmem:s19], [sflag:$0x8], $0x4000, $0x38;
	[tilespmem:$0x1A520] =	vst v63  }
0x6e: {  	_ =	swait.ge @!p4 [sflag:s13], $0x4000  }
0x6f: {  	[sflag:s13] =	ssyncset.done @!p4 $0x0  }
0x70: {  	s1 =	sadd.s32 $0xFFFFFF80, s30;
	[sflag:s13] =	ssyncadd.s32 @!p4 $0xFFFFC000  }
0x71: {  	[tilespmem:s17], [sflag:$0x3] =	stream.indirect.gather [spmem:s2], $0x80, s1, s12, $0xb8;
	[tilespmem:$0x1A520] =	vst v63  }
0x72: {  	_ =	swait.ge [sflag:s18], $0x4000  }
0x73: {  	[sflag:s18] =	ssyncset.done $0x0  }
0x74: {  	s6 =	sadd.s32 s29, s7;
	s1 =	simm.s32 @!p4 $0x8;
	[sflag:s18] =	ssyncadd.s32 $0xFFFFC000  }
0x75: {  	[hbm4b:s6+s3] =	stream.linear.scatter [tilespmem:s14], [sflag:$0x5], $0x4000, $0x38;
	[tilespmem:$0x1A520] =	vst v63  }
0x76: {  	_ =	swait.ge @!p4 [sflag:s1], $0x4000  }
0x77: {  	[sflag:s1] =	ssyncset.done @!p4 $0x0  }
0x78: {  	[sflag:s1] =	ssyncadd.s32 @!p4 $0xFFFFC000  }
0x79: {  	[tilespmem:s19], [sflag:$0x4] =	stream.indirect.gather [spmem:s2], $0x80, s30, s12, $0xb8;
	[tilespmem:$0x1A520] =	vst v63  }
0x7a: {  	_ =	swait.ge [sflag:s20], $0x4000  }
0x7b: {  	s13 =	sadd.s32 $0xFFFFFFFF, s31;
	s8 =	rddreg [dreg:$0x5];
	[sflag:s20] =	ssyncset.done $0x0  }
0x7c: {  	p4 =	sge.u32 s13, s4;
	[sflag:s20] =	ssyncadd.s32 $0xFFFFC000;
	s0 =	sadd.s32 s29, s8  }
0x7d: {  	[hbm4b:s0+s3] =	stream.linear.scatter [tilespmem:s16], [sflag:$0x6], $0x4000, $0x38;
	[tilespmem:$0x1A520] =	vst v63  }
0x7e: {  	s0 =	simm.s32 @!p4 $0x5  }
0x7f: {  	_ =	swait.ge @!p4 [sflag:s0], $0x4000  }
0x80: {  	s1 =	simm.s32 @!p4 $0x84A0;
	[sflag:s0] =	ssyncset.done @!p4 $0x0  }
0x81: {  	s6 =	sadd.s32 @!p4 $0x80, s30;
	[sflag:s0] =	ssyncadd.s32 @!p4 $0xFFFFC000;
	s0 =	simm.s32 @!p4 $0x80  }
0x82: {  	[tilespmem:s1], [sflag:$0x1] =	stream.indirect.gather @!p4 [spmem:s2], $0x80, s6, s0, $0xb8;
	[tilespmem:$0x1A520] =	vst v63  }
0x83: {  	_ =	swait.ge [sflag:s21], $0x4000  }
0x84: {  	p4 =	sge.u32 s31, s4;
	s15 =	rddreg [dreg:$0x6];
	[sflag:s21] =	ssyncset.done $0x0  }
0x85: {  	s1 =	simm.s32 @!p4 $0x6;
	[sflag:s21] =	ssyncadd.s32 $0xFFFFC000;
	s0 =	sadd.s32 s29, s15  }
0x86: {  	[hbm4b:s0+s3] =	stream.linear.scatter [tilespmem:s17], [sflag:$0x7], $0x4000, $0x38;
	[tilespmem:$0x1A520] =	vst v63  }
0x87: {  	_ =	swait.ge @!p4 [sflag:s1], $0x4000  }
0x88: {  	s6 =	sadd.s32 @!p4 $0x100, s30;
	[sflag:s1] =	ssyncset.done @!p4 $0x0  }
0x89: {  	s8 =	simm.s32 @!p4 $0x80;
	s0 =	simm.s32 @!p4 $0xC4A0;
	[sflag:s1] =	ssyncadd.s32 @!p4 $0xFFFFC000  }
0x8a: {  	[tilespmem:s0], [sflag:$0x2] =	stream.indirect.gather @!p4 [spmem:s2], $0x80, s6, s8, $0xb8;
	[tilespmem:$0x1A520] =	vst v63  }
0x8b: {  	_ =	swait.ge [sflag:s22], $0x4000  }
0x8c: {  	s31 =	rddreg [dreg:$0x7];
	[sflag:s22] =	ssyncset.done $0x0  }
0x8d: {  	[sflag:s22] =	ssyncadd.s32 $0xFFFFC000;
	s0 =	sadd.s32 s29, s31  }
0x8e: {  	[hbm4b:s0+s3] =	stream.linear.scatter [tilespmem:s19], [sflag:$0x8], $0x4000, $0x38;
	[tilespmem:$0x1A520] =	vst v63  }
0x8f: {  	s0 =	simm.s32 @!p2 $0x1  }
0x90: {  	_ =	swait.ge @!p2 [sflag:s0], $0x4000  }
0x91: {  	s1 =	simm.s32 @!p2 $0x84A0;
	[sflag:s0] =	ssyncset.done @!p2 $0x0  }
0x92: {  	s6 =	rddreg [dreg:$0x8];
	[sflag:s0] =	ssyncadd.s32 @!p2 $0xFFFFC000;
	s0 =	simm.s32 @!p2 $0x0  }
0x93: {  	[hbm4b:s6+s0] =	stream.linear.scatter @!p2 [tilespmem:s1], [sflag:$0x5], $0x4000, $0x38;
	[tilespmem:$0x1A520] =	vst v63  }
0x94: {  	_ =	swait.ge [sflag:s23], $0x4000  }
0x95: {  	[sflag:s23] =	ssyncset.done $0x0  }
0x96: {  	[sflag:s23] =	ssyncadd.s32 $0xFFFFC000  }
0x97: {  	_ =	swait.ge [sflag:s24], $0x4000  }
0x98: {  	[sflag:s24] =	ssyncset.done $0x0  }
0x99: {  	[sflag:s24] =	ssyncadd.s32 $0xFFFFC000  }
0x9a: {  	_ =	swait.ge [sflag:s25], $0x4000  }
0x9b: {  	[sflag:s25] =	ssyncset.done $0x0  }
0x9c: {  	[sflag:s25] =	ssyncadd.s32 $0xFFFFC000  }
0x9d: {  	_ =	swait.ge [sflag:s26], $0x4000  }
0x9e: {  	s0 =	simm.s32 @!p3 $0x0;
	[sflag:s26] =	ssyncset.done $0x0  }
0x9f: {  	s1 =	simm.s32 @!p3 $0x184A0;
	s6 =	rddreg [dreg:$0x9];
	[sflag:s26] =	ssyncadd.s32 $0xFFFFC000  }
0xa0: {  	[tilespmem:s1], [sflag:$0x9] =	stream.linear.gather @!p3 [hbm4b:s6+s0], $0x40, $0x38;
	[tilespmem:$0x1A520] =	vst v63  }
0xa1: {  	s6 =	simm.s32 @!p3 $0x9  }
0xa2: {  	_ =	swait.ge @!p3 [sflag:s6], $0x40  }
0xa3: {  	[sflag:s6] =	ssyncset.done @!p3 $0x0  }
0xa4: {  	s13 =	simm.s32 @!p3 $0x18520;
	s8 =	simm.s32 @!p3 $0x40;
	[sflag:s6] =	ssyncadd.s32 @!p3 $0xFFFFFFC0  }
0xa5: {  	[tilespmem:s13], [sflag:$0x1] =	stream.indirect.gather @!p3 [spmem:s2], $0x80, s1, s8, $0xb8;
	[tilespmem:$0x1A520] =	vst v63  }
0xa6: {  	s1 =	simm.s32 @!p3 $0x1  }
0xa7: {  	s28 =	sadd.s32 $0x1, s28;
	_ =	swait.ge @!p3 [sflag:s1], $0x2000  }
0xa8: {  	p4 =	sne.s32 s28, s10;
	[sflag:s1] =	ssyncset.done @!p3 $0x0  }
.Ltmp1:
0xa9: {  	[sflag:s1] =	ssyncadd.s32 @!p3 $0xFFFFE000;
	(pc) =	sbr.rel @p4 .LBB2_1-.Ltmp1, $4  }
0xaa: {  	[hbm4b:s9+s0] =	stream.linear.scatter @!p3 [tilespmem:s13], [sflag:$0x9], $0x2000, $0x38;
	[tilespmem:$0x1A520] =	vst v63  }
0xab: {  	_ =	swait.ge @!p3 [sflag:s6], $0x2000  }
0xac: {  	[sflag:s6] =	ssyncset.done @!p3 $0x0  }
0xad: {  	[sflag:s6] =	ssyncadd.s32 @!p3 $0xFFFFE000  }
0xae: {  	_ =	sfence.sel $0x180000  }
0xaf: {  	[bflag:$0x0] =	sbarrier.arrive $0xFFFF  }
0xb0: {  	_ =	strace $0x90000047  }
0xb1: {  	[bflag:$0x2] =	sbarrier.arrive $0xFFFF  }
0xb2: {  	s0 =	rddreg [dreg:$0x4]  }
0xb3: {  	s0 =	sadd.s32 @!p0 $0x100000, s0  }
0xb4: {  	[sflag:s0] =	ssyncadd.tile.s32 @!p0 $0x1;
	_ =	shalt  }
.Lfunc_end2:
_tile_overlayer_lowered:
.L_overlay_start_2:
0xb5: {  	(tag) =	ssettag $0x2  }
0xb6: {  	s0 =	rddreg [dreg:$0x0];
	s2 =	stileid.u32  }
0xb7: {  	s1 =	rddreg [dreg:$0x1];
	p0 =	sne.s32 s2, $0x0  }
0xb8: {  	s3 =	rddreg [dreg:$0x2];
	[bflag:$0x3] =	sbarrier.arrive $0xFFFF;
	s2 =	simm.s32 @!p0 $0x1C09  }
0xb9: {  	[timem:s3], [sflag:s2] =	dma.local @!p0 [hbm:s0], s1  }
0xba: {  	s0 =	simm.s32 @!p0 $0x9  }
0xbb: {  	_ =	swait.ge @!p0 [sflag:s0], s1  }
0xbc: {  	s1 =	ssub.s32 @!p0 $0x0, s1;
	[sflag:s0] =	ssyncset.done @!p0 $0x0  }
0xbd: {  	[sflag:s0] =	ssyncadd.s32 @!p0 s1  }
0xbe: {  	[bflag:$0x3] =	sbarrier.arrive $0xFFFF  }
0xbf: {  	_ =	shalt  }

</sc_bundles>
